<compile_context>
chip_gen: v7x
topology: tpu7x:2x2x1
jax: 0.10.2.dev20260603
libtpu: 0.0.44.dev20260713+nightly
codegen_flags: <defaults>
</compile_context>

<pallas_src>
import jax
import jax.numpy as jnp
from jax import lax
from jax.experimental import pallas as pl
from jax.experimental.pallas import tpu as pltpu
from jax.experimental.pallas import tpu_sc as plsc

N = 10000
E = 320000
D = 128
N_PAD = 10240
NC = 2
NS = 16
L = 16
NW = NC * NS
K = 128
NWS = NS
NBUF = 2
BPWS = 162
CAP = BPWS * K
GSZ = NBUF * K
E_PAD = NWS * BPWS * K
EPW = E_PAD // NW
HALF = N_PAD // 2
DUMP = 128
ACC_ROWS = HALF + DUMP
ZBLK = ACC_ROWS // K
R = 1024
GRID = N_PAD // R

_MESH = plsc.VectorSubcoreMesh(core_axis_name="c", subcore_axis_name="s")


def _deg_body(dst_hbm, degp_hbm, dst_v, acc_v):
    c = lax.axis_index("c")
    s = lax.axis_index("s")
    wid = s * NC + c
    pltpu.sync_copy(dst_hbm.at[wid], dst_v)
    zeros = jnp.zeros((L,), jnp.float32)

    def zero_body(j, carry):
        acc_v[pl.ds(j * L, L)] = zeros
        return carry

    lax.fori_loop(0, N_PAD // L, zero_body, 0)
    ones = jnp.ones((L,), jnp.float32)

    def body(i, carry):
        idx = dst_v[pl.ds(i * L, L)]
        plsc.addupdate_scatter(acc_v, [idx], ones)
        return carry

    lax.fori_loop(0, EPW // L, body, 0)
    pltpu.sync_copy(acc_v, degp_hbm.at[wid])


_deg_call = pl.kernel(
    _deg_body,
    out_type=jax.ShapeDtypeStruct((NW, N_PAD), jnp.float32),
    mesh=_MESH,
    compiler_params=pltpu.CompilerParams(needs_layout_passes=False),
    scratch_types=[
        pltpu.VMEM((EPW,), jnp.int32),
        pltpu.VMEM((N_PAD,), jnp.float32),
    ],
)


def _scatter_body(g_hbm, edges_hbm, out_hbm,
                  src_c, dst_c, srcb, dstb, rows_v, acc_sh, gsem, ssem):
    c = lax.axis_index("c")
    s = lax.axis_index("s")
    pltpu.sync_copy(edges_hbm.at[s, 0], src_c.at[pl.ds(0, CAP)])
    pltpu.sync_copy(edges_hbm.at[s, 1], dst_c.at[pl.ds(0, CAP)])

    lo = c * HALF
    lane = lax.broadcasted_iota(jnp.int32, (L,), 0)

    def comp_body(i, o):
        sv = src_c[pl.ds(i * L, L)]
        dv = dst_c[pl.ds(i * L, L)]
        dl = dv - lo
        m = (dl >= 0) & (dl < HALF)
        cm = plsc.cumsum(m.astype(jnp.int32))
        pos = jnp.where(m, o + cm - 1, CAP + lane)
        plsc.store_scatter(src_c, [pos], sv)
        plsc.store_scatter(dst_c, [pos], dl)
        return o + lax.reduce_max(cm, (0,))

    o = lax.fori_loop(0, CAP // L, comp_body, jnp.int32(0))

    ngrp = (o + GSZ - 1) // GSZ
    end = ngrp * GSZ
    base0 = (o // L) * L

    @pl.when(o < end)
    def _pad_partial():
        ix = jnp.minimum(o + lane, end - 1)
        plsc.store_scatter(src_c, [ix], jnp.zeros((L,), jnp.int32))
        plsc.store_scatter(dst_c, [ix], HALF + (ix & (DUMP - 1)))

    def pad_body(j, carry):
        b0 = j * L
        src_c[pl.ds(b0, L)] = jnp.zeros((L,), jnp.int32)
        dst_c[pl.ds(b0, L)] = HALF + ((b0 + lane) & (DUMP - 1))
        return carry

    lax.fori_loop(o // L + 1, end // L, pad_body, 0)

    zeros = jnp.zeros((L,), jnp.float32)
    cpr = D // L

    def zero_body(i, carry):
        r = i // cpr
        col = (i % cpr) * L
        rows_v[0, r, pl.ds(col, L)] = zeros
        return carry

    lax.fori_loop(0, K * D // L, zero_body, 0)

    def zcopy_body(j, carry):
        blk = s + j * NS
        pltpu.sync_copy(rows_v.at[0], acc_sh.at[pl.ds(blk * K, K)])
        return carry

    lax.fori_loop(0, (ZBLK - s + NS - 1) // NS, zcopy_body, 0)
    plsc.subcore_barrier()

    def group(grp, carry):
        for u in range(NBUF):
            b = grp * NBUF + u
            for col in range(K // L):
                srcb[u, pl.ds(col * L, L)] = src_c[pl.ds(b * K + col * L, L)]
                dstb[u, pl.ds(col * L, L)] = dst_c[pl.ds(b * K + col * L, L)]
        gd = []
        for u in range(NBUF):
            gd.append(pltpu.async_copy(
                g_hbm.at[srcb.at[u]], rows_v.at[u], gsem.at[u]))
        sd = []
        for u in range(NBUF):
            gd[u].wait()
            sd.append(pltpu.async_copy(
                rows_v.at[u], acc_sh.at[dstb.at[u]], ssem.at[u],
                add=True))
        for u in range(NBUF):
            sd[u].wait()
        return carry

    lax.fori_loop(0, ngrp, group, 0)
    plsc.subcore_barrier()
    ob = s * (HALF // NS)
    pltpu.sync_copy(acc_sh.at[pl.ds(ob, HALF // NS)],
                    out_hbm.at[c, pl.ds(ob, HALF // NS)])


_scatter_call = pl.kernel(
    _scatter_body,
    out_type=jax.ShapeDtypeStruct((NC, HALF, D), jnp.float32),
    mesh=_MESH,
    compiler_params=pltpu.CompilerParams(needs_layout_passes=False),
    scratch_types=[
        pltpu.VMEM((CAP + L,), jnp.int32),
        pltpu.VMEM((CAP + L,), jnp.int32),
        pltpu.VMEM((NBUF, K), jnp.int32),
        pltpu.VMEM((NBUF, K), jnp.int32),
        pltpu.VMEM((NBUF, K, D), jnp.float32),
        pltpu.VMEM_SHARED((ACC_ROWS, D), jnp.float32),
        pltpu.SemaphoreType.DMA((NBUF,)),
        pltpu.SemaphoreType.DMA((NBUF,)),
    ],
)


def _tc1_body(x_ref, w_ref, degp_ref, g1_ref, dis_ref):
    ones = jnp.ones((NW, D), jnp.float32)
    deg = lax.dot_general(degp_ref[...], ones, (((0,), (0,)), ((), ())),
                          preferred_element_type=jnp.float32)
    dis = lax.rsqrt(deg + 1.0)
    h = jnp.dot(x_ref[...], w_ref[...], preferred_element_type=jnp.float32)
    g1_ref[...] = h * dis
    dis_ref[...] = dis


_tc1_call = pl.pallas_call(
    _tc1_body,
    grid=(GRID,),
    in_specs=[
        pl.BlockSpec((R, D), lambda i: (i, 0)),
        pl.BlockSpec((D, D), lambda i: (0, 0)),
        pl.BlockSpec((NW, R), lambda i: (0, i)),
    ],
    out_specs=[
        pl.BlockSpec((R, D), lambda i: (i, 0)),
        pl.BlockSpec((R, D), lambda i: (i, 0)),
    ],
    out_shape=[
        jax.ShapeDtypeStruct((N_PAD, D), jnp.float32),
        jax.ShapeDtypeStruct((N_PAD, D), jnp.float32),
    ],
)


def _tc2_body(acc_ref, g1_ref, dis_ref, b_ref, w_ref, g2_ref):
    agg = acc_ref[...] + g1_ref[...]
    h1 = jnp.maximum(agg * dis_ref[...] + b_ref[...], 0.0)
    h = jnp.dot(h1, w_ref[...], preferred_element_type=jnp.float32)
    g2_ref[...] = h * dis_ref[...]


_tc2_call = pl.pallas_call(
    _tc2_body,
    grid=(GRID,),
    in_specs=[
        pl.BlockSpec((R, D), lambda i: (i, 0)),
        pl.BlockSpec((R, D), lambda i: (i, 0)),
        pl.BlockSpec((R, D), lambda i: (i, 0)),
        pl.BlockSpec((D,), lambda i: (0,)),
        pl.BlockSpec((D, D), lambda i: (0, 0)),
    ],
    out_specs=pl.BlockSpec((R, D), lambda i: (i, 0)),
    out_shape=jax.ShapeDtypeStruct((N_PAD, D), jnp.float32),
)


def _tcf_body(g_ref, dis_ref, b3_ref, out_ref):
    h = g_ref[...] / dis_ref[...]
    out_ref[...] = jnp.maximum(h + b3_ref[...], 0.0)


_tcf_call = pl.pallas_call(
    _tcf_body,
    grid=(GRID,),
    in_specs=[
        pl.BlockSpec((R, D), lambda i: (i, 0)),
        pl.BlockSpec((R, D), lambda i: (i, 0)),
        pl.BlockSpec((D,), lambda i: (0,)),
    ],
    out_specs=pl.BlockSpec((R, D), lambda i: (i, 0)),
    out_shape=jax.ShapeDtypeStruct((N_PAD, D), jnp.float32),
)


@jax.jit
def kernel(x, edge_index, W1, b1, W2, b2, W3, b3):
    src = edge_index[0].astype(jnp.int32)
    dst = edge_index[1].astype(jnp.int32)
    pad = E_PAD - E
    src_flat = jnp.concatenate([src, jnp.zeros((pad,), jnp.int32)])
    dst_flat = jnp.concatenate(
        [dst, N + (jnp.arange(pad, dtype=jnp.int32) % (N_PAD - N))])
    edges = jnp.concatenate(
        [src_flat.reshape(NWS, 1, CAP), dst_flat.reshape(NWS, 1, CAP)],
        axis=1)
    x_p = jnp.pad(x, ((0, N_PAD - N), (0, 0)))

    degp = _deg_call(dst_flat.reshape(NW, EPW))
    g1, dis = _tc1_call(x_p, W1, degp)

    def conv_step(g, bw):
        b_i, w_i = bw
        acc = _scatter_call(g, edges).reshape(N_PAD, D)
        return _tc2_call(acc, g, dis, b_i, w_i), None

    g_fin, _ = lax.scan(conv_step, g1,
                        (jnp.stack([b1, b2]), jnp.stack([W2, W3])))
    out = _tcf_call(g_fin, dis, b3)
    return out[:N]

# --- scband reference (transcript-rebuilt; emitter-appended) ---
"""Pipeline reference for scband-gcnencoder-39960375722252 (READ-ONLY COPY).

The authoritative reference and input builder live on the scoring server;
editing this copy changes nothing except your own understanding.
"""

import jax, jax.numpy as jnp
import numpy as np

N_NODES = 10000
N_EDGES = 320000
D_IN = 128
D_HID = 128
D_OUT = 128


def setup_inputs(seed: int = 0) -> dict:
    key = jax.random.key(seed)
    ks = jax.random.split(key, 9)
    x = jax.random.normal(ks[0], (N_NODES, D_IN), dtype=jnp.float32)
    edge_index = jax.random.randint(ks[1], (2, N_EDGES), 0, N_NODES, dtype=jnp.int64)
    s1 = 1.0 / np.sqrt(D_IN)
    s2 = 1.0 / np.sqrt(D_HID)
    W1 = jax.random.uniform(ks[2], (D_IN, D_HID), dtype=jnp.float32, minval=-s1, maxval=s1)
    b1 = jnp.zeros((D_HID,), dtype=jnp.float32)
    W2 = jax.random.uniform(ks[3], (D_HID, D_HID), dtype=jnp.float32, minval=-s2, maxval=s2)
    b2 = jnp.zeros((D_HID,), dtype=jnp.float32)
    W3 = jax.random.uniform(ks[4], (D_HID, D_OUT), dtype=jnp.float32, minval=-s2, maxval=s2)
    b3 = jax.random.uniform(ks[5], (D_OUT,), dtype=jnp.float32, minval=-s2, maxval=s2)
    return {"x": x, "edge_index": edge_index, "W1": W1, "b1": b1, "W2": W2, "b2": b2, "W3": W3, "b3": b3}


def _gcn_conv(x, src, dst, W, b, num_nodes):
    # PyG GCNConv: add self-loops, symmetric normalization, linear (no bias),
    # scatter-add aggregation at dst, then add bias.
    loop = jnp.arange(num_nodes, dtype=src.dtype)
    s = jnp.concatenate([src, loop])
    d = jnp.concatenate([dst, loop])
    ew = jnp.ones((s.shape[0],), dtype=x.dtype)
    deg = jnp.zeros((num_nodes,), dtype=x.dtype).at[d].add(ew)
    deg_inv_sqrt = jnp.where(deg > 0, 1.0 / jnp.sqrt(deg), 0.0)
    norm = deg_inv_sqrt[s] * deg_inv_sqrt[d]
    h = x @ W
    msgs = h[s] * norm[:, None]
    out = jnp.zeros((num_nodes, W.shape[1]), dtype=x.dtype).at[d].add(msgs)
    return out + b


def reference(x, edge_index, W1, b1, W2, b2, W3, b3):
    num_nodes = x.shape[0]
    src, dst = edge_index[0], edge_index[1]
    h = _gcn_conv(x, src, dst, W1, b1, num_nodes)
    h = jax.nn.relu(h)
    h = _gcn_conv(h, src, dst, W2, b2, num_nodes)
    h = jax.nn.relu(h)
    # dropout p=0.0 (and eval-mode) -> identity
    h = h @ W3 + b3
    h = jax.nn.relu(h)
    return h

if __name__ == "__main__":
    import jax
    _d = setup_inputs()
    print(jax.jit(kernel)(*tuple(_d.values())))

</pallas_src>

<mosaic_0001>
#map = affine_map<(d0, d1) -> (0, 0)>
module attributes {stable_mosaic.version = 14 : i64} {
  func.func @_deg_body(%arg0: i32, %arg1: i32, %arg2: memref<32x10368xi32, #tpu.memory_space<hbm>>, %arg3: memref<32x10240xf32, #tpu.memory_space<hbm>>, %arg4: memref<10368xi32, #tpu.memory_space<vmem>>, %arg5: memref<10240xf32, #tpu.memory_space<vmem>>) attributes {dimension_semantics = [#tpu.dimension_semantics<core_parallel>, #tpu.dimension_semantics<subcore_parallel>], iteration_bounds = array<i64: 2, 16>, scalar_prefetch = 0 : i64, scratch_operands = 2 : i64, tpu.core_type = #tpu.core_type<sc_vector_subcore>, window_params = [{transform_indices = #map}, {transform_indices = #map}]} {
    %mul3A = arith.constant 2 : i32
    %mul3A_0 = arith.muli %arg1, %mul3A : i32
    %add3A = arith.addi %mul3A_0, %arg0 : i32
    "tpu.region"() ({
      %run_scoped3A = tpu.sem_alloc : memref<!tpu.dma_semaphore, #tpu.memory_space<semaphore_mem>>
      %dma_start3A = arith.constant 0 : i32
      %dma_start3A_15 = tpu.memref_slice %arg2[%add3A, %dma_start3A] : memref<32x10368xi32, #tpu.memory_space<hbm>> -> memref<1x10368xi32, #tpu.memory_space<hbm>>
      %dma_start3A_16 = tpu.memref_squeeze %dma_start3A_15 : memref<1x10368xi32, #tpu.memory_space<hbm>> -> memref<10368xi32, #tpu.memory_space<hbm>>
      %dma_start3A_17 = arith.constant 0 : i32
      %dma_start3A_18 = tpu.memref_slice %arg2[%add3A, %dma_start3A_17] : memref<32x10368xi32, #tpu.memory_space<hbm>> -> memref<1x10368xi32, #tpu.memory_space<hbm>>
      %dma_start3A_19 = tpu.memref_squeeze %dma_start3A_18 : memref<1x10368xi32, #tpu.memory_space<hbm>> -> memref<10368xi32, #tpu.memory_space<hbm>>
      tpu.enqueue_dma source(%dma_start3A_19 : memref<10368xi32, #tpu.memory_space<hbm>>) target(%arg4 : memref<10368xi32, #tpu.memory_space<vmem>>) target_semaphore(%run_scoped3A : memref<!tpu.dma_semaphore, #tpu.memory_space<semaphore_mem>>)
      %dma_wait3A = arith.constant 0 : i32
      %dma_wait3A_20 = tpu.memref_slice %arg2[%add3A, %dma_wait3A] : memref<32x10368xi32, #tpu.memory_space<hbm>> -> memref<1x10368xi32, #tpu.memory_space<hbm>>
      %dma_wait3A_21 = tpu.memref_squeeze %dma_wait3A_20 : memref<1x10368xi32, #tpu.memory_space<hbm>> -> memref<10368xi32, #tpu.memory_space<hbm>>
      %dma_wait3A_22 = arith.constant 0 : i32
      %dma_wait3A_23 = tpu.memref_slice %arg2[%add3A, %dma_wait3A_22] : memref<32x10368xi32, #tpu.memory_space<hbm>> -> memref<1x10368xi32, #tpu.memory_space<hbm>>
      %dma_wait3A_24 = tpu.memref_squeeze %dma_wait3A_23 : memref<1x10368xi32, #tpu.memory_space<hbm>> -> memref<10368xi32, #tpu.memory_space<hbm>>
      tpu.wait_dma2 semaphore(%run_scoped3A : memref<!tpu.dma_semaphore, #tpu.memory_space<semaphore_mem>>) src(%dma_wait3A_24 : memref<10368xi32, #tpu.memory_space<hbm>>) dst(%arg4 : memref<10368xi32, #tpu.memory_space<vmem>>)
      tpu.yield
    }) : () -> ()
    %broadcast_in_dim3A = arith.constant 0.000000e+00 : f32
    %broadcast_in_dim3A_1 = vector.broadcast %broadcast_in_dim3A : f32 to vector<16xf32>
    %scan3A = arith.constant 0 : i32
    %scan3A_2 = arith.constant 0 : i32
    %scan3A_3 = arith.constant 640 : i32
    %scan3A_4 = arith.addi %scan3A_2, %scan3A_3 : i32
    %scan3A_5 = arith.constant 1 : i32
    scf.for %scan3A_15 = %scan3A_2 to %scan3A_4 step %scan3A_5  : i32 {
      %mul3A_16 = arith.constant 16 : i32
      %mul3A_17 = arith.muli %scan3A_15, %mul3A_16 : i32
      %swap3A = arith.index_cast %mul3A_17 : i32 to index
      %swap3A_18 = tpu.vector_load %arg5[%swap3A] {strides = array<i32>} : memref<10240xf32, #tpu.memory_space<vmem>>, vector<16xf32>,
      tpu.vector_store %arg5[%swap3A], %broadcast_in_dim3A_1 {strides = array<i32>} : memref<10240xf32, #tpu.memory_space<vmem>>, vector<16xf32>,
    }
    %scan3A_6 = arith.constant 640 : i32
    %broadcast_in_dim3A_7 = arith.constant 1.000000e+00 : f32
    %broadcast_in_dim3A_8 = vector.broadcast %broadcast_in_dim3A_7 : f32 to vector<16xf32>
    %scan3A_9 = arith.constant 0 : i32
    %scan3A_10 = arith.constant 0 : i32
    %scan3A_11 = arith.constant 648 : i32
    %scan3A_12 = arith.addi %scan3A_10, %scan3A_11 : i32
    %scan3A_13 = arith.constant 1 : i32
    scf.for %scan3A_15 = %scan3A_10 to %scan3A_12 step %scan3A_13  : i32 {
      %mul3A_16 = arith.constant 16 : i32
      %mul3A_17 = arith.muli %scan3A_15, %mul3A_16 : i32
      %get3A = arith.index_cast %mul3A_17 : i32 to index
      %get3A_18 = tpu.vector_load %arg4[%get3A] {strides = array<i32>} : memref<10368xi32, #tpu.memory_space<vmem>>, vector<16xi32>,
      tpu.vector_store_idx %arg5[%get3A_18], %broadcast_in_dim3A_8 {add = true} : memref<10240xf32, #tpu.memory_space<vmem>>[vector<16xi32>], vector<16xf32>,
    }
    %scan3A_14 = arith.constant 648 : i32
    "tpu.region"() ({
      %run_scoped3A = tpu.sem_alloc : memref<!tpu.dma_semaphore, #tpu.memory_space<semaphore_mem>>
      %dma_start3A = arith.constant 0 : i32
      %dma_start3A_15 = tpu.memref_slice %arg3[%add3A, %dma_start3A] : memref<32x10240xf32, #tpu.memory_space<hbm>> -> memref<1x10240xf32, #tpu.memory_space<hbm>>
      %dma_start3A_16 = tpu.memref_squeeze %dma_start3A_15 : memref<1x10240xf32, #tpu.memory_space<hbm>> -> memref<10240xf32, #tpu.memory_space<hbm>>
      %dma_start3A_17 = arith.constant 0 : i32
      %dma_start3A_18 = tpu.memref_slice %arg3[%add3A, %dma_start3A_17] : memref<32x10240xf32, #tpu.memory_space<hbm>> -> memref<1x10240xf32, #tpu.memory_space<hbm>>
      %dma_start3A_19 = tpu.memref_squeeze %dma_start3A_18 : memref<1x10240xf32, #tpu.memory_space<hbm>> -> memref<10240xf32, #tpu.memory_space<hbm>>
      tpu.enqueue_dma source(%arg5 : memref<10240xf32, #tpu.memory_space<vmem>>) target(%dma_start3A_19 : memref<10240xf32, #tpu.memory_space<hbm>>) target_semaphore(%run_scoped3A : memref<!tpu.dma_semaphore, #tpu.memory_space<semaphore_mem>>)
      %dma_wait3A = arith.constant 0 : i32
      %dma_wait3A_20 = tpu.memref_slice %arg3[%add3A, %dma_wait3A] : memref<32x10240xf32, #tpu.memory_space<hbm>> -> memref<1x10240xf32, #tpu.memory_space<hbm>>
      %dma_wait3A_21 = tpu.memref_squeeze %dma_wait3A_20 : memref<1x10240xf32, #tpu.memory_space<hbm>> -> memref<10240xf32, #tpu.memory_space<hbm>>
      %dma_wait3A_22 = arith.constant 0 : i32
      %dma_wait3A_23 = tpu.memref_slice %arg3[%add3A, %dma_wait3A_22] : memref<32x10240xf32, #tpu.memory_space<hbm>> -> memref<1x10240xf32, #tpu.memory_space<hbm>>
      %dma_wait3A_24 = tpu.memref_squeeze %dma_wait3A_23 : memref<1x10240xf32, #tpu.memory_space<hbm>> -> memref<10240xf32, #tpu.memory_space<hbm>>
      tpu.wait_dma2 semaphore(%run_scoped3A : memref<!tpu.dma_semaphore, #tpu.memory_space<semaphore_mem>>) src(%arg5 : memref<10240xf32, #tpu.memory_space<vmem>>) dst(%dma_wait3A_24 : memref<10240xf32, #tpu.memory_space<hbm>>)
      tpu.yield
    }) : () -> ()
    return
  }
}

#map = affine_map<(d0, d1) -> (0, 0)>
#map1 = affine_map<(d0, d1) -> (0, 0, 0)>
module attributes {stable_mosaic.version = 14 : i64} {
  func.func @_scatter_body(%arg0: i32, %arg1: i32, %arg2: memref<10240x128xf32, #tpu.memory_space<hbm>>, %arg3: memref<16x2x20736xi32, #tpu.memory_space<hbm>>, %arg4: memref<2x5120x128xf32, #tpu.memory_space<hbm>>, %arg5: memref<20752xi32, #tpu.memory_space<vmem>>, %arg6: memref<20752xi32, #tpu.memory_space<vmem>>, %arg7: memref<2x128xi32, #tpu.memory_space<vmem>>, %arg8: memref<2x128xi32, #tpu.memory_space<vmem>>, %arg9: memref<2x128x128xf32, #tpu.memory_space<vmem>>, %arg10: memref<5248x128xf32, #tpu.memory_space<vmem_shared>>, %arg11: memref<2x!tpu.dma_semaphore, #tpu.memory_space<semaphore_mem>>, %arg12: memref<2x!tpu.dma_semaphore, #tpu.memory_space<semaphore_mem>>) attributes {dimension_semantics = [#tpu.dimension_semantics<core_parallel>, #tpu.dimension_semantics<subcore_parallel>], iteration_bounds = array<i64: 2, 16>, scalar_prefetch = 0 : i64, scratch_operands = 8 : i64, tpu.core_type = #tpu.core_type<sc_vector_subcore>, window_params = [{transform_indices = #map}, {transform_indices = #map1}, {transform_indices = #map1}]} {
    %run_scoped3A = arith.constant 0 : i32
    "tpu.region"() ({
      %run_scoped3A_174 = tpu.sem_alloc : memref<!tpu.dma_semaphore, #tpu.memory_space<semaphore_mem>>
      %dma_start3A = arith.constant 0 : i32
      %dma_start3A_175 = tpu.memref_slice %arg5[%dma_start3A] : memref<20752xi32, #tpu.memory_space<vmem>> -> memref<20736xi32, #tpu.memory_space<vmem>>
      %dma_start3A_176 = arith.constant 0 : i32
      %dma_start3A_177 = tpu.memref_slice %arg3[%arg1, %run_scoped3A, %dma_start3A_176] : memref<16x2x20736xi32, #tpu.memory_space<hbm>> -> memref<1x1x20736xi32, #tpu.memory_space<hbm>>
      %dma_start3A_178 = tpu.memref_squeeze %dma_start3A_177 : memref<1x1x20736xi32, #tpu.memory_space<hbm>> -> memref<20736xi32, #tpu.memory_space<hbm>>
      %dma_start3A_179 = arith.constant 0 : i32
      %dma_start3A_180 = tpu.memref_slice %arg5[%dma_start3A_179] : memref<20752xi32, #tpu.memory_space<vmem>> -> memref<20736xi32, #tpu.memory_space<vmem>>
      %dma_start3A_181 = arith.constant 0 : i32
      %dma_start3A_182 = tpu.memref_slice %arg3[%arg1, %run_scoped3A, %dma_start3A_181] : memref<16x2x20736xi32, #tpu.memory_space<hbm>> -> memref<1x1x20736xi32, #tpu.memory_space<hbm>>
      %dma_start3A_183 = tpu.memref_squeeze %dma_start3A_182 : memref<1x1x20736xi32, #tpu.memory_space<hbm>> -> memref<20736xi32, #tpu.memory_space<hbm>>
      tpu.enqueue_dma source(%dma_start3A_183 : memref<20736xi32, #tpu.memory_space<hbm>>) target(%dma_start3A_180 : memref<20736xi32, #tpu.memory_space<vmem>>) target_semaphore(%run_scoped3A_174 : memref<!tpu.dma_semaphore, #tpu.memory_space<semaphore_mem>>)
      %dma_wait3A = arith.constant 0 : i32
      %dma_wait3A_184 = tpu.memref_slice %arg5[%dma_wait3A] : memref<20752xi32, #tpu.memory_space<vmem>> -> memref<20736xi32, #tpu.memory_space<vmem>>
      %dma_wait3A_185 = arith.constant 0 : i32
      %dma_wait3A_186 = tpu.memref_slice %arg3[%arg1, %run_scoped3A, %dma_wait3A_185] : memref<16x2x20736xi32, #tpu.memory_space<hbm>> -> memref<1x1x20736xi32, #tpu.memory_space<hbm>>
      %dma_wait3A_187 = tpu.memref_squeeze %dma_wait3A_186 : memref<1x1x20736xi32, #tpu.memory_space<hbm>> -> memref<20736xi32, #tpu.memory_space<hbm>>
      %dma_wait3A_188 = arith.constant 0 : i32
      %dma_wait3A_189 = tpu.memref_slice %arg5[%dma_wait3A_188] : memref<20752xi32, #tpu.memory_space<vmem>> -> memref<20736xi32, #tpu.memory_space<vmem>>
      %dma_wait3A_190 = arith.constant 0 : i32
      %dma_wait3A_191 = tpu.memref_slice %arg3[%arg1, %run_scoped3A, %dma_wait3A_190] : memref<16x2x20736xi32, #tpu.memory_space<hbm>> -> memref<1x1x20736xi32, #tpu.memory_space<hbm>>
      %dma_wait3A_192 = tpu.memref_squeeze %dma_wait3A_191 : memref<1x1x20736xi32, #tpu.memory_space<hbm>> -> memref<20736xi32, #tpu.memory_space<hbm>>
      tpu.wait_dma2 semaphore(%run_scoped3A_174 : memref<!tpu.dma_semaphore, #tpu.memory_space<semaphore_mem>>) src(%dma_wait3A_192 : memref<20736xi32, #tpu.memory_space<hbm>>) dst(%dma_wait3A_189 : memref<20736xi32, #tpu.memory_space<vmem>>)
      tpu.yield
    }) : () -> ()
    %run_scoped3A_0 = arith.constant 1 : i32
    "tpu.region"() ({
      %run_scoped3A_174 = tpu.sem_alloc : memref<!tpu.dma_semaphore, #tpu.memory_space<semaphore_mem>>
      %dma_start3A = arith.constant 0 : i32
      %dma_start3A_175 = tpu.memref_slice %arg6[%dma_start3A] : memref<20752xi32, #tpu.memory_space<vmem>> -> memref<20736xi32, #tpu.memory_space<vmem>>
      %dma_start3A_176 = arith.constant 0 : i32
      %dma_start3A_177 = tpu.memref_slice %arg3[%arg1, %run_scoped3A_0, %dma_start3A_176] : memref<16x2x20736xi32, #tpu.memory_space<hbm>> -> memref<1x1x20736xi32, #tpu.memory_space<hbm>>
      %dma_start3A_178 = tpu.memref_squeeze %dma_start3A_177 : memref<1x1x20736xi32, #tpu.memory_space<hbm>> -> memref<20736xi32, #tpu.memory_space<hbm>>
      %dma_start3A_179 = arith.constant 0 : i32
      %dma_start3A_180 = tpu.memref_slice %arg6[%dma_start3A_179] : memref<20752xi32, #tpu.memory_space<vmem>> -> memref<20736xi32, #tpu.memory_space<vmem>>
      %dma_start3A_181 = arith.constant 0 : i32
      %dma_start3A_182 = tpu.memref_slice %arg3[%arg1, %run_scoped3A_0, %dma_start3A_181] : memref<16x2x20736xi32, #tpu.memory_space<hbm>> -> memref<1x1x20736xi32, #tpu.memory_space<hbm>>
      %dma_start3A_183 = tpu.memref_squeeze %dma_start3A_182 : memref<1x1x20736xi32, #tpu.memory_space<hbm>> -> memref<20736xi32, #tpu.memory_space<hbm>>
      tpu.enqueue_dma source(%dma_start3A_183 : memref<20736xi32, #tpu.memory_space<hbm>>) target(%dma_start3A_180 : memref<20736xi32, #tpu.memory_space<vmem>>) target_semaphore(%run_scoped3A_174 : memref<!tpu.dma_semaphore, #tpu.memory_space<semaphore_mem>>)
      %dma_wait3A = arith.constant 0 : i32
      %dma_wait3A_184 = tpu.memref_slice %arg6[%dma_wait3A] : memref<20752xi32, #tpu.memory_space<vmem>> -> memref<20736xi32, #tpu.memory_space<vmem>>
      %dma_wait3A_185 = arith.constant 0 : i32
      %dma_wait3A_186 = tpu.memref_slice %arg3[%arg1, %run_scoped3A_0, %dma_wait3A_185] : memref<16x2x20736xi32, #tpu.memory_space<hbm>> -> memref<1x1x20736xi32, #tpu.memory_space<hbm>>
      %dma_wait3A_187 = tpu.memref_squeeze %dma_wait3A_186 : memref<1x1x20736xi32, #tpu.memory_space<hbm>> -> memref<20736xi32, #tpu.memory_space<hbm>>
      %dma_wait3A_188 = arith.constant 0 : i32
      %dma_wait3A_189 = tpu.memref_slice %arg6[%dma_wait3A_188] : memref<20752xi32, #tpu.memory_space<vmem>> -> memref<20736xi32, #tpu.memory_space<vmem>>
      %dma_wait3A_190 = arith.constant 0 : i32
      %dma_wait3A_191 = tpu.memref_slice %arg3[%arg1, %run_scoped3A_0, %dma_wait3A_190] : memref<16x2x20736xi32, #tpu.memory_space<hbm>> -> memref<1x1x20736xi32, #tpu.memory_space<hbm>>
      %dma_wait3A_192 = tpu.memref_squeeze %dma_wait3A_191 : memref<1x1x20736xi32, #tpu.memory_space<hbm>> -> memref<20736xi32, #tpu.memory_space<hbm>>
      tpu.wait_dma2 semaphore(%run_scoped3A_174 : memref<!tpu.dma_semaphore, #tpu.memory_space<semaphore_mem>>) src(%dma_wait3A_192 : memref<20736xi32, #tpu.memory_space<hbm>>) dst(%dma_wait3A_189 : memref<20736xi32, #tpu.memory_space<vmem>>)
      tpu.yield
    }) : () -> ()
    %mul3A = arith.constant 5120 : i32
    %mul3A_1 = arith.muli %arg0, %mul3A : i32
    %iota3A = tpu.iota {dimensions = array<i32: 0>} : vector<16xi32>
    %scan3A = arith.constant 0 : i32
    %scan3A_2 = arith.constant 0 : i32
    %scan3A_3 = arith.constant 1296 : i32
    %scan3A_4 = arith.addi %scan3A_2, %scan3A_3 : i32
    %scan3A_5 = arith.constant 1 : i32
    %scan3A_6 = scf.for %scan3A_174 = %scan3A_2 to %scan3A_4 step %scan3A_5 iter_args(%scan3A_175 = %scan3A) -> (i32)  : i32 {
      %mul3A_176 = arith.constant 16 : i32
      %mul3A_177 = arith.muli %scan3A_174, %mul3A_176 : i32
      %get3A = arith.index_cast %mul3A_177 : i32 to index
      %get3A_178 = tpu.vector_load %arg5[%get3A] {strides = array<i32>} : memref<20752xi32, #tpu.memory_space<vmem>>, vector<16xi32>,
      %mul3A_179 = arith.constant 16 : i32
      %mul3A_180 = arith.muli %scan3A_174, %mul3A_179 : i32
      %get3A_181 = arith.index_cast %mul3A_180 : i32 to index
      %get3A_182 = tpu.vector_load %arg6[%get3A_181] {strides = array<i32>} : memref<20752xi32, #tpu.memory_space<vmem>>, vector<16xi32>,
      %sub3A_183 = vector.broadcast %mul3A_1 : i32 to vector<16xi32>
      %sub3A_184 = arith.subi %get3A_182, %sub3A_183 : vector<16xi32>
      %ge3A = arith.constant 0 : i32
      %ge3A_185 = vector.broadcast %ge3A : i32 to vector<16xi32>
      %ge3A_186 = arith.cmpi sge, %sub3A_184, %ge3A_185 : vector<16xi32>
      %lt3A_187 = arith.constant 5120 : i32
      %lt3A_188 = vector.broadcast %lt3A_187 : i32 to vector<16xi32>
      %lt3A_189 = arith.cmpi slt, %sub3A_184, %lt3A_188 : vector<16xi32>
      %and3A_190 = arith.andi %ge3A_186, %lt3A_189 : vector<16xi1>
      %convert_element_type3A_191 = arith.extui %and3A_190 : vector<16xi1> to vector<16xi32>
      %broadcast_in_dim3A_192 = arith.constant true
      %broadcast_in_dim3A_193 = vector.broadcast %broadcast_in_dim3A_192 : i1 to vector<16xi1>
      %masked_cumsum3A = tpu.scan <sum>, %convert_element_type3A_191 masked %broadcast_in_dim3A_193 : vector<16xi32>, vector<16xi1> -> vector<16xi32>
      %add3A_194 = vector.broadcast %scan3A_175 : i32 to vector<16xi32>
      %add3A_195 = arith.addi %add3A_194, %masked_cumsum3A : vector<16xi32>
      %sub3A_196 = arith.constant 1 : i32
      %sub3A_197 = vector.broadcast %sub3A_196 : i32 to vector<16xi32>
      %sub3A_198 = arith.subi %add3A_195, %sub3A_197 : vector<16xi32>
      %add3A_199 = arith.constant 20736 : i32
      %add3A_200 = vector.broadcast %add3A_199 : i32 to vector<16xi32>
      %add3A_201 = arith.addi %add3A_200, %iota3A : vector<16xi32>
      %select_n3A_202 = arith.select %and3A_190, %sub3A_198, %add3A_201 : vector<16xi1>, vector<16xi32>
      tpu.vector_store_idx %arg5[%select_n3A_202], %get3A_178 : memref<20752xi32, #tpu.memory_space<vmem>>[vector<16xi32>], vector<16xi32>,
      tpu.vector_store_idx %arg6[%select_n3A_202], %sub3A_184 : memref<20752xi32, #tpu.memory_space<vmem>>[vector<16xi32>], vector<16xi32>,
      %reduce_max3A = arith.constant true
      %reduce_max3A_203 = vector.broadcast %reduce_max3A : i1 to vector<16xi1>
      %reduce_max3A_204 = arith.constant -2147483648 : i32
      %reduce_max3A_205 = vector.broadcast %reduce_max3A_204 : i32 to vector<16xi32>
      %reduce_max3A_206 = arith.xori %masked_cumsum3A, %reduce_max3A_205 : vector<16xi32>
      %reduce_max3A_207 = tpu.scan <max>, %reduce_max3A_206 masked %reduce_max3A_203 : vector<16xi32>, vector<16xi1> -> vector<16xi32>
      %reduce_max3A_208 = arith.xori %reduce_max3A_207, %reduce_max3A_205 : vector<16xi32>
      %reduce_max3A_209 = vector.extract %reduce_max3A_208[15] : i32 from vector<16xi32>
      %add3A_210 = arith.addi %scan3A_175, %reduce_max3A_209 : i32
      scf.yield %add3A_210 : i32
    }
    %scan3A_7 = arith.constant 1296 : i32
    %add3A = arith.constant 256 : i32
    %add3A_8 = arith.addi %scan3A_6, %add3A : i32
    %sub3A = arith.constant 1 : i32
    %sub3A_9 = arith.subi %add3A_8, %sub3A : i32
    %jit3A = arith.constant 256 : i32
    %div3A = arith.divsi %sub3A_9, %jit3A : i32
    %sign3A = arith.constant 0 : i32
    %sign3A_10 = arith.cmpi sgt, %sub3A_9, %sign3A : i32
    %sign3A_11 = arith.extui %sign3A_10 : i1 to i32
    %sign3A_12 = arith.constant 0 : i32
    %sign3A_13 = arith.cmpi slt, %sub3A_9, %sign3A_12 : i32
    %sign3A_14 = arith.extui %sign3A_13 : i1 to i32
    %sign3A_15 = arith.subi %sign3A_11, %sign3A_14 : i32
    %sign3A_16 = arith.constant 0 : i32
    %sign3A_17 = arith.cmpi sgt, %jit3A, %sign3A_16 : i32
    %sign3A_18 = arith.extui %sign3A_17 : i1 to i32
    %sign3A_19 = arith.constant 0 : i32
    %sign3A_20 = arith.cmpi slt, %jit3A, %sign3A_19 : i32
    %sign3A_21 = arith.extui %sign3A_20 : i1 to i32
    %sign3A_22 = arith.subi %sign3A_18, %sign3A_21 : i32
    %ne3A = arith.cmpi ne, %sign3A_15, %sign3A_22 : i32
    %rem3A = arith.remsi %sub3A_9, %jit3A : i32
    %ne3A_23 = arith.constant 0 : i32
    %ne3A_24 = arith.cmpi ne, %rem3A, %ne3A_23 : i32
    %and3A = arith.andi %ne3A, %ne3A_24 : i1
    %sub3A_25 = arith.constant 1 : i32
    %sub3A_26 = arith.subi %div3A, %sub3A_25 : i32
    %select_n3A = arith.select %and3A, %sub3A_26, %div3A : i32
    %mul3A_27 = arith.constant 256 : i32
    %mul3A_28 = arith.muli %select_n3A, %mul3A_27 : i32
    %jit3A_29 = arith.constant 16 : i32
    %div3A_30 = arith.divsi %scan3A_6, %jit3A_29 : i32
    %sign3A_31 = arith.constant 0 : i32
    %sign3A_32 = arith.cmpi sgt, %scan3A_6, %sign3A_31 : i32
    %sign3A_33 = arith.extui %sign3A_32 : i1 to i32
    %sign3A_34 = arith.constant 0 : i32
    %sign3A_35 = arith.cmpi slt, %scan3A_6, %sign3A_34 : i32
    %sign3A_36 = arith.extui %sign3A_35 : i1 to i32
    %sign3A_37 = arith.subi %sign3A_33, %sign3A_36 : i32
    %sign3A_38 = arith.constant 0 : i32
    %sign3A_39 = arith.cmpi sgt, %jit3A_29, %sign3A_38 : i32
    %sign3A_40 = arith.extui %sign3A_39 : i1 to i32
    %sign3A_41 = arith.constant 0 : i32
    %sign3A_42 = arith.cmpi slt, %jit3A_29, %sign3A_41 : i32
    %sign3A_43 = arith.extui %sign3A_42 : i1 to i32
    %sign3A_44 = arith.subi %sign3A_40, %sign3A_43 : i32
    %ne3A_45 = arith.cmpi ne, %sign3A_37, %sign3A_44 : i32
    %rem3A_46 = arith.remsi %scan3A_6, %jit3A_29 : i32
    %ne3A_47 = arith.constant 0 : i32
    %ne3A_48 = arith.cmpi ne, %rem3A_46, %ne3A_47 : i32
    %and3A_49 = arith.andi %ne3A_45, %ne3A_48 : i1
    %sub3A_50 = arith.constant 1 : i32
    %sub3A_51 = arith.subi %div3A_30, %sub3A_50 : i32
    %select_n3A_52 = arith.select %and3A_49, %sub3A_51, %div3A_30 : i32
    %mul3A_53 = arith.constant 16 : i32
    %mul3A_54 = arith.muli %select_n3A_52, %mul3A_53 : i32
    %lt3A = arith.cmpi slt, %scan3A_6, %mul3A_28 : i32
    %convert_element_type3A = arith.extui %lt3A : i1 to i32
    %cond3A = arith.constant 0 : i32
    %cond3A_55 = arith.cmpi ne, %convert_element_type3A, %cond3A : i32
    scf.if %cond3A_55 {
      %add3A_174 = vector.broadcast %scan3A_6 : i32 to vector<16xi32>
      %add3A_175 = arith.addi %add3A_174, %iota3A : vector<16xi32>
      %sub3A_176 = arith.constant 1 : i32
      %sub3A_177 = arith.subi %mul3A_28, %sub3A_176 : i32
      %min3A = vector.broadcast %sub3A_177 : i32 to vector<16xi32>
      %min3A_178 = arith.minsi %add3A_175, %min3A : vector<16xi32>
      %broadcast_in_dim3A_179 = arith.constant 0 : i32
      %broadcast_in_dim3A_180 = vector.broadcast %broadcast_in_dim3A_179 : i32 to vector<16xi32>
      tpu.vector_store_idx %arg5[%min3A_178], %broadcast_in_dim3A_180 : memref<20752xi32, #tpu.memory_space<vmem>>[vector<16xi32>], vector<16xi32>,
      %and3A_181 = arith.constant 127 : i32
      %and3A_182 = vector.broadcast %and3A_181 : i32 to vector<16xi32>
      %and3A_183 = arith.andi %min3A_178, %and3A_182 : vector<16xi32>
      %add3A_184 = arith.constant 5120 : i32
      %add3A_185 = vector.broadcast %add3A_184 : i32 to vector<16xi32>
      %add3A_186 = arith.addi %add3A_185, %and3A_183 : vector<16xi32>
      tpu.vector_store_idx %arg6[%min3A_178], %add3A_186 : memref<20752xi32, #tpu.memory_space<vmem>>[vector<16xi32>], vector<16xi32>,
    } else {
    }
    %jit3A_56 = arith.constant 16 : i32
    %div3A_57 = arith.divsi %scan3A_6, %jit3A_56 : i32
    %sign3A_58 = arith.constant 0 : i32
    %sign3A_59 = arith.cmpi sgt, %scan3A_6, %sign3A_58 : i32
    %sign3A_60 = arith.extui %sign3A_59 : i1 to i32
    %sign3A_61 = arith.constant 0 : i32
    %sign3A_62 = arith.cmpi slt, %scan3A_6, %sign3A_61 : i32
    %sign3A_63 = arith.extui %sign3A_62 : i1 to i32
    %sign3A_64 = arith.subi %sign3A_60, %sign3A_63 : i32
    %sign3A_65 = arith.constant 0 : i32
    %sign3A_66 = arith.cmpi sgt, %jit3A_56, %sign3A_65 : i32
    %sign3A_67 = arith.extui %sign3A_66 : i1 to i32
    %sign3A_68 = arith.constant 0 : i32
    %sign3A_69 = arith.cmpi slt, %jit3A_56, %sign3A_68 : i32
    %sign3A_70 = arith.extui %sign3A_69 : i1 to i32
    %sign3A_71 = arith.subi %sign3A_67, %sign3A_70 : i32
    %ne3A_72 = arith.cmpi ne, %sign3A_64, %sign3A_71 : i32
    %rem3A_73 = arith.remsi %scan3A_6, %jit3A_56 : i32
    %ne3A_74 = arith.constant 0 : i32
    %ne3A_75 = arith.cmpi ne, %rem3A_73, %ne3A_74 : i32
    %and3A_76 = arith.andi %ne3A_72, %ne3A_75 : i1
    %sub3A_77 = arith.constant 1 : i32
    %sub3A_78 = arith.subi %div3A_57, %sub3A_77 : i32
    %select_n3A_79 = arith.select %and3A_76, %sub3A_78, %div3A_57 : i32
    %add3A_80 = arith.constant 1 : i32
    %add3A_81 = arith.addi %select_n3A_79, %add3A_80 : i32
    %jit3A_82 = arith.constant 16 : i32
    %div3A_83 = arith.divsi %mul3A_28, %jit3A_82 : i32
    %sign3A_84 = arith.constant 0 : i32
    %sign3A_85 = arith.cmpi sgt, %mul3A_28, %sign3A_84 : i32
    %sign3A_86 = arith.extui %sign3A_85 : i1 to i32
    %sign3A_87 = arith.constant 0 : i32
    %sign3A_88 = arith.cmpi slt, %mul3A_28, %sign3A_87 : i32
    %sign3A_89 = arith.extui %sign3A_88 : i1 to i32
    %sign3A_90 = arith.subi %sign3A_86, %sign3A_89 : i32
    %sign3A_91 = arith.constant 0 : i32
    %sign3A_92 = arith.cmpi sgt, %jit3A_82, %sign3A_91 : i32
    %sign3A_93 = arith.extui %sign3A_92 : i1 to i32
    %sign3A_94 = arith.constant 0 : i32
    %sign3A_95 = arith.cmpi slt, %jit3A_82, %sign3A_94 : i32
    %sign3A_96 = arith.extui %sign3A_95 : i1 to i32
    %sign3A_97 = arith.subi %sign3A_93, %sign3A_96 : i32
    %ne3A_98 = arith.cmpi ne, %sign3A_90, %sign3A_97 : i32
    %rem3A_99 = arith.remsi %mul3A_28, %jit3A_82 : i32
    %ne3A_100 = arith.constant 0 : i32
    %ne3A_101 = arith.cmpi ne, %rem3A_99, %ne3A_100 : i32
    %and3A_102 = arith.andi %ne3A_98, %ne3A_101 : i1
    %sub3A_103 = arith.constant 1 : i32
    %sub3A_104 = arith.subi %div3A_83, %sub3A_103 : i32
    %select_n3A_105 = arith.select %and3A_102, %sub3A_104, %div3A_83 : i32
    %while3A = arith.constant 0 : i32
    %while3A_106 = arith.subi %select_n3A_105, %add3A_81 : i32
    %while3A_107 = arith.addi %add3A_81, %while3A_106 : i32
    %while3A_108 = arith.constant 1 : i32
    %while3A_109 = arith.divsi %while3A_106, %while3A_108 : i32
    %while3A_110 = arith.muli %while3A_109, %while3A_108 : i32
    %while3A_111 = arith.addi %add3A_81, %while3A_110 : i32
    %while3A_112 = arith.constant 1 : i32
    scf.for %while3A_174 = %add3A_81 to %while3A_111 step %while3A_112  : i32 {
      %mul3A_175 = arith.constant 16 : i32
      %mul3A_176 = arith.muli %while3A_174, %mul3A_175 : i32
      %broadcast_in_dim3A_177 = arith.constant 0 : i32
      %broadcast_in_dim3A_178 = vector.broadcast %broadcast_in_dim3A_177 : i32 to vector<16xi32>
      %swap3A = arith.index_cast %mul3A_176 : i32 to index
      %swap3A_179 = tpu.vector_load %arg5[%swap3A] {strides = array<i32>} : memref<20752xi32, #tpu.memory_space<vmem>>, vector<16xi32>,
      tpu.vector_store %arg5[%swap3A], %broadcast_in_dim3A_178 {strides = array<i32>} : memref<20752xi32, #tpu.memory_space<vmem>>, vector<16xi32>,
      %add3A_180 = vector.broadcast %mul3A_176 : i32 to vector<16xi32>
      %add3A_181 = arith.addi %add3A_180, %iota3A : vector<16xi32>
      %and3A_182 = arith.constant 127 : i32
      %and3A_183 = vector.broadcast %and3A_182 : i32 to vector<16xi32>
      %and3A_184 = arith.andi %add3A_181, %and3A_183 : vector<16xi32>
      %add3A_185 = arith.constant 5120 : i32
      %add3A_186 = vector.broadcast %add3A_185 : i32 to vector<16xi32>
      %add3A_187 = arith.addi %add3A_186, %and3A_184 : vector<16xi32>
      %swap3A_188 = arith.index_cast %mul3A_176 : i32 to index
      %swap3A_189 = tpu.vector_load %arg6[%swap3A_188] {strides = array<i32>} : memref<20752xi32, #tpu.memory_space<vmem>>, vector<16xi32>,
      tpu.vector_store %arg6[%swap3A_188], %add3A_187 {strides = array<i32>} : memref<20752xi32, #tpu.memory_space<vmem>>, vector<16xi32>,
    }
    %while3A_113 = arith.constant 1 : i32
    scf.for %while3A_174 = %while3A_111 to %while3A_107 step %while3A_113  : i32 {
      %mul3A_175 = arith.constant 16 : i32
      %mul3A_176 = arith.muli %while3A_174, %mul3A_175 : i32
      %broadcast_in_dim3A_177 = arith.constant 0 : i32
      %broadcast_in_dim3A_178 = vector.broadcast %broadcast_in_dim3A_177 : i32 to vector<16xi32>
      %swap3A = arith.index_cast %mul3A_176 : i32 to index
      %swap3A_179 = tpu.vector_load %arg5[%swap3A] {strides = array<i32>} : memref<20752xi32, #tpu.memory_space<vmem>>, vector<16xi32>,
      tpu.vector_store %arg5[%swap3A], %broadcast_in_dim3A_178 {strides = array<i32>} : memref<20752xi32, #tpu.memory_space<vmem>>, vector<16xi32>,
      %add3A_180 = vector.broadcast %mul3A_176 : i32 to vector<16xi32>
      %add3A_181 = arith.addi %add3A_180, %iota3A : vector<16xi32>
      %and3A_182 = arith.constant 127 : i32
      %and3A_183 = vector.broadcast %and3A_182 : i32 to vector<16xi32>
      %and3A_184 = arith.andi %add3A_181, %and3A_183 : vector<16xi32>
      %add3A_185 = arith.constant 5120 : i32
      %add3A_186 = vector.broadcast %add3A_185 : i32 to vector<16xi32>
      %add3A_187 = arith.addi %add3A_186, %and3A_184 : vector<16xi32>
      %swap3A_188 = arith.index_cast %mul3A_176 : i32 to index
      %swap3A_189 = tpu.vector_load %arg6[%swap3A_188] {strides = array<i32>} : memref<20752xi32, #tpu.memory_space<vmem>>, vector<16xi32>,
      tpu.vector_store %arg6[%swap3A_188], %add3A_187 {strides = array<i32>} : memref<20752xi32, #tpu.memory_space<vmem>>, vector<16xi32>,
    }
    %broadcast_in_dim3A = arith.constant 0.000000e+00 : f32
    %broadcast_in_dim3A_114 = vector.broadcast %broadcast_in_dim3A : f32 to vector<16xf32>
    %scan3A_115 = arith.constant 0 : i32
    %scan3A_116 = arith.constant 0 : i32
    %scan3A_117 = arith.constant 1024 : i32
    %scan3A_118 = arith.addi %scan3A_116, %scan3A_117 : i32
    %scan3A_119 = arith.constant 1 : i32
    scf.for %scan3A_174 = %scan3A_116 to %scan3A_118 step %scan3A_119  : i32 {
      %jit3A_175 = arith.constant 8 : i32
      %div3A_176 = arith.divsi %scan3A_174, %jit3A_175 : i32
      %sign3A_177 = arith.constant 0 : i32
      %sign3A_178 = arith.cmpi sgt, %scan3A_174, %sign3A_177 : i32
      %sign3A_179 = arith.extui %sign3A_178 : i1 to i32
      %sign3A_180 = arith.constant 0 : i32
      %sign3A_181 = arith.cmpi slt, %scan3A_174, %sign3A_180 : i32
      %sign3A_182 = arith.extui %sign3A_181 : i1 to i32
      %sign3A_183 = arith.subi %sign3A_179, %sign3A_182 : i32
      %sign3A_184 = arith.constant 0 : i32
      %sign3A_185 = arith.cmpi sgt, %jit3A_175, %sign3A_184 : i32
      %sign3A_186 = arith.extui %sign3A_185 : i1 to i32
      %sign3A_187 = arith.constant 0 : i32
      %sign3A_188 = arith.cmpi slt, %jit3A_175, %sign3A_187 : i32
      %sign3A_189 = arith.extui %sign3A_188 : i1 to i32
      %sign3A_190 = arith.subi %sign3A_186, %sign3A_189 : i32
      %ne3A_191 = arith.cmpi ne, %sign3A_183, %sign3A_190 : i32
      %rem3A_192 = arith.remsi %scan3A_174, %jit3A_175 : i32
      %ne3A_193 = arith.constant 0 : i32
      %ne3A_194 = arith.cmpi ne, %rem3A_192, %ne3A_193 : i32
      %and3A_195 = arith.andi %ne3A_191, %ne3A_194 : i1
      %sub3A_196 = arith.constant 1 : i32
      %sub3A_197 = arith.subi %div3A_176, %sub3A_196 : i32
      %select_n3A_198 = arith.select %and3A_195, %sub3A_197, %div3A_176 : i32
      %jit3A_199 = arith.constant 8 : i32
      %eq3A = arith.constant 0 : i32
      %eq3A_200 = arith.cmpi eq, %jit3A_199, %eq3A : i32
      %jit3A_201 = arith.constant 1 : i32
      %select_n3A_202 = arith.select %eq3A_200, %jit3A_201, %jit3A_199 : i32
      %rem3A_203 = arith.remsi %scan3A_174, %select_n3A_202 : i32
      %ne3A_204 = arith.constant 0 : i32
      %ne3A_205 = arith.cmpi ne, %rem3A_203, %ne3A_204 : i32
      %lt3A_206 = arith.constant 0 : i32
      %lt3A_207 = arith.cmpi slt, %rem3A_203, %lt3A_206 : i32
      %lt3A_208 = arith.constant 0 : i32
      %lt3A_209 = arith.cmpi slt, %select_n3A_202, %lt3A_208 : i32
      %ne3A_210 = arith.xori %lt3A_207, %lt3A_209 : i1
      %and3A_211 = arith.andi %ne3A_210, %ne3A_205 : i1
      %add3A_212 = arith.addi %rem3A_203, %select_n3A_202 : i32
      %select_n3A_213 = arith.select %and3A_211, %add3A_212, %rem3A_203 : i32
      %mul3A_214 = arith.constant 16 : i32
      %mul3A_215 = arith.muli %select_n3A_213, %mul3A_214 : i32
      %swap3A = arith.constant 0 : i32
      %swap3A_216 = arith.index_cast %swap3A : i32 to index
      %swap3A_217 = arith.index_cast %select_n3A_198 : i32 to index
      %swap3A_218 = arith.index_cast %mul3A_215 : i32 to index
      %swap3A_219 = tpu.vector_load %arg9[%swap3A_216, %swap3A_217, %swap3A_218] {strides = array<i32>} : memref<2x128x128xf32, #tpu.memory_space<vmem>>, vector<16xf32>,
      tpu.vector_store %arg9[%swap3A_216, %swap3A_217, %swap3A_218], %broadcast_in_dim3A_114 {strides = array<i32>} : memref<2x128x128xf32, #tpu.memory_space<vmem>>, vector<16xf32>,
    }
    %scan3A_120 = arith.constant 1024 : i32
    %sub3A_121 = arith.constant 41 : i32
    %sub3A_122 = arith.subi %sub3A_121, %arg1 : i32
    %add3A_123 = arith.constant 16 : i32
    %add3A_124 = arith.addi %sub3A_122, %add3A_123 : i32
    %sub3A_125 = arith.constant 1 : i32
    %sub3A_126 = arith.subi %add3A_124, %sub3A_125 : i32
    %jit3A_127 = arith.constant 16 : i32
    %div3A_128 = arith.divsi %sub3A_126, %jit3A_127 : i32
    %sign3A_129 = arith.constant 0 : i32
    %sign3A_130 = arith.cmpi sgt, %sub3A_126, %sign3A_129 : i32
    %sign3A_131 = arith.extui %sign3A_130 : i1 to i32
    %sign3A_132 = arith.constant 0 : i32
    %sign3A_133 = arith.cmpi slt, %sub3A_126, %sign3A_132 : i32
    %sign3A_134 = arith.extui %sign3A_133 : i1 to i32
    %sign3A_135 = arith.subi %sign3A_131, %sign3A_134 : i32
    %sign3A_136 = arith.constant 0 : i32
    %sign3A_137 = arith.cmpi sgt, %jit3A_127, %sign3A_136 : i32
    %sign3A_138 = arith.extui %sign3A_137 : i1 to i32
    %sign3A_139 = arith.constant 0 : i32
    %sign3A_140 = arith.cmpi slt, %jit3A_127, %sign3A_139 : i32
    %sign3A_141 = arith.extui %sign3A_140 : i1 to i32
    %sign3A_142 = arith.subi %sign3A_138, %sign3A_141 : i32
    %ne3A_143 = arith.cmpi ne, %sign3A_135, %sign3A_142 : i32
    %rem3A_144 = arith.remsi %sub3A_126, %jit3A_127 : i32
    %ne3A_145 = arith.constant 0 : i32
    %ne3A_146 = arith.cmpi ne, %rem3A_144, %ne3A_145 : i32
    %and3A_147 = arith.andi %ne3A_143, %ne3A_146 : i1
    %sub3A_148 = arith.constant 1 : i32
    %sub3A_149 = arith.subi %div3A_128, %sub3A_148 : i32
    %select_n3A_150 = arith.select %and3A_147, %sub3A_149, %div3A_128 : i32
    %while3A_151 = arith.constant 0 : i32
    %while3A_152 = arith.constant 0 : i32
    %while3A_153 = arith.subi %select_n3A_150, %while3A_152 : i32
    %while3A_154 = arith.addi %while3A_152, %while3A_153 : i32
    %while3A_155 = arith.constant 1 : i32
    %while3A_156 = arith.divsi %while3A_153, %while3A_155 : i32
    %while3A_157 = arith.muli %while3A_156, %while3A_155 : i32
    %while3A_158 = arith.addi %while3A_152, %while3A_157 : i32
    %while3A_159 = arith.constant 1 : i32
    scf.for %while3A_174 = %while3A_152 to %while3A_158 step %while3A_159  : i32 {
      %mul3A_175 = arith.constant 16 : i32
      %mul3A_176 = arith.muli %while3A_174, %mul3A_175 : i32
      %add3A_177 = arith.addi %arg1, %mul3A_176 : i32
      %mul3A_178 = arith.constant 128 : i32
      %mul3A_179 = arith.muli %add3A_177, %mul3A_178 : i32
      %run_scoped3A_180 = arith.constant 0 : i32
      "tpu.region"() ({
        %run_scoped3A_181 = tpu.sem_alloc : memref<!tpu.dma_semaphore, #tpu.memory_space<semaphore_mem>>
        %dma_start3A = arith.constant 0 : i32
        %dma_start3A_182 = arith.constant 0 : i32
        %dma_start3A_183 = tpu.memref_slice %arg9[%run_scoped3A_180, %dma_start3A, %dma_start3A_182] : memref<2x128x128xf32, #tpu.memory_space<vmem>> -> memref<1x128x128xf32, #tpu.memory_space<vmem>>
        %dma_start3A_184 = tpu.memref_squeeze %dma_start3A_183 : memref<1x128x128xf32, #tpu.memory_space<vmem>> -> memref<128x128xf32, #tpu.memory_space<vmem>>
        %dma_start3A_185 = arith.constant 0 : i32
        %dma_start3A_186 = tpu.memref_slice %arg10[%mul3A_179, %dma_start3A_185] : memref<5248x128xf32, #tpu.memory_space<vmem_shared>> -> memref<128x128xf32, #tpu.memory_space<vmem_shared>>
        %dma_start3A_187 = arith.constant 0 : i32
        %dma_start3A_188 = tpu.memref_slice %arg10[%mul3A_179, %dma_start3A_187] : memref<5248x128xf32, #tpu.memory_space<vmem_shared>> -> memref<128x128xf32, #tpu.memory_space<vmem_shared>>
        %dma_start3A_189 = arith.constant 0 : i32
        %dma_start3A_190 = arith.constant 0 : i32
        %dma_start3A_191 = tpu.memref_slice %arg9[%run_scoped3A_180, %dma_start3A_189, %dma_start3A_190] : memref<2x128x128xf32, #tpu.memory_space<vmem>> -> memref<1x128x128xf32, #tpu.memory_space<vmem>>
        %dma_start3A_192 = tpu.memref_squeeze %dma_start3A_191 : memref<1x128x128xf32, #tpu.memory_space<vmem>> -> memref<128x128xf32, #tpu.memory_space<vmem>>
        tpu.enqueue_dma source(%dma_start3A_192 : memref<128x128xf32, #tpu.memory_space<vmem>>) target(%dma_start3A_188 : memref<128x128xf32, #tpu.memory_space<vmem_shared>>) target_semaphore(%run_scoped3A_181 : memref<!tpu.dma_semaphore, #tpu.memory_space<semaphore_mem>>)
        %dma_wait3A = arith.constant 0 : i32
        %dma_wait3A_193 = arith.constant 0 : i32
        %dma_wait3A_194 = tpu.memref_slice %arg9[%run_scoped3A_180, %dma_wait3A, %dma_wait3A_193] : memref<2x128x128xf32, #tpu.memory_space<vmem>> -> memref<1x128x128xf32, #tpu.memory_space<vmem>>
        %dma_wait3A_195 = tpu.memref_squeeze %dma_wait3A_194 : memref<1x128x128xf32, #tpu.memory_space<vmem>> -> memref<128x128xf32, #tpu.memory_space<vmem>>
        %dma_wait3A_196 = arith.constant 0 : i32
        %dma_wait3A_197 = tpu.memref_slice %arg10[%mul3A_179, %dma_wait3A_196] : memref<5248x128xf32, #tpu.memory_space<vmem_shared>> -> memref<128x128xf32, #tpu.memory_space<vmem_shared>>
        %dma_wait3A_198 = arith.constant 0 : i32
        %dma_wait3A_199 = tpu.memref_slice %arg10[%mul3A_179, %dma_wait3A_198] : memref<5248x128xf32, #tpu.memory_space<vmem_shared>> -> memref<128x128xf32, #tpu.memory_space<vmem_shared>>
        %dma_wait3A_200 = arith.constant 0 : i32
        %dma_wait3A_201 = arith.constant 0 : i32
        %dma_wait3A_202 = tpu.memref_slice %arg9[%run_scoped3A_180, %dma_wait3A_200, %dma_wait3A_201] : memref<2x128x128xf32, #tpu.memory_space<vmem>> -> memref<1x128x128xf32, #tpu.memory_space<vmem>>
        %dma_wait3A_203 = tpu.memref_squeeze %dma_wait3A_202 : memref<1x128x128xf32, #tpu.memory_space<vmem>> -> memref<128x128xf32, #tpu.memory_space<vmem>>
        tpu.wait_dma2 semaphore(%run_scoped3A_181 : memref<!tpu.dma_semaphore, #tpu.memory_space<semaphore_mem>>) src(%dma_wait3A_203 : memref<128x128xf32, #tpu.memory_space<vmem>>) dst(%dma_wait3A_199 : memref<128x128xf32, #tpu.memory_space<vmem_shared>>)
        tpu.yield
      }) : () -> ()
    }
    %while3A_160 = arith.constant 1 : i32
    scf.for %while3A_174 = %while3A_158 to %while3A_154 step %while3A_160  : i32 {
      %mul3A_175 = arith.constant 16 : i32
      %mul3A_176 = arith.muli %while3A_174, %mul3A_175 : i32
      %add3A_177 = arith.addi %arg1, %mul3A_176 : i32
      %mul3A_178 = arith.constant 128 : i32
      %mul3A_179 = arith.muli %add3A_177, %mul3A_178 : i32
      %run_scoped3A_180 = arith.constant 0 : i32
      "tpu.region"() ({
        %run_scoped3A_181 = tpu.sem_alloc : memref<!tpu.dma_semaphore, #tpu.memory_space<semaphore_mem>>
        %dma_start3A = arith.constant 0 : i32
        %dma_start3A_182 = arith.constant 0 : i32
        %dma_start3A_183 = tpu.memref_slice %arg9[%run_scoped3A_180, %dma_start3A, %dma_start3A_182] : memref<2x128x128xf32, #tpu.memory_space<vmem>> -> memref<1x128x128xf32, #tpu.memory_space<vmem>>
        %dma_start3A_184 = tpu.memref_squeeze %dma_start3A_183 : memref<1x128x128xf32, #tpu.memory_space<vmem>> -> memref<128x128xf32, #tpu.memory_space<vmem>>
        %dma_start3A_185 = arith.constant 0 : i32
        %dma_start3A_186 = tpu.memref_slice %arg10[%mul3A_179, %dma_start3A_185] : memref<5248x128xf32, #tpu.memory_space<vmem_shared>> -> memref<128x128xf32, #tpu.memory_space<vmem_shared>>
        %dma_start3A_187 = arith.constant 0 : i32
        %dma_start3A_188 = tpu.memref_slice %arg10[%mul3A_179, %dma_start3A_187] : memref<5248x128xf32, #tpu.memory_space<vmem_shared>> -> memref<128x128xf32, #tpu.memory_space<vmem_shared>>
        %dma_start3A_189 = arith.constant 0 : i32
        %dma_start3A_190 = arith.constant 0 : i32
        %dma_start3A_191 = tpu.memref_slice %arg9[%run_scoped3A_180, %dma_start3A_189, %dma_start3A_190] : memref<2x128x128xf32, #tpu.memory_space<vmem>> -> memref<1x128x128xf32, #tpu.memory_space<vmem>>
        %dma_start3A_192 = tpu.memref_squeeze %dma_start3A_191 : memref<1x128x128xf32, #tpu.memory_space<vmem>> -> memref<128x128xf32, #tpu.memory_space<vmem>>
        tpu.enqueue_dma source(%dma_start3A_192 : memref<128x128xf32, #tpu.memory_space<vmem>>) target(%dma_start3A_188 : memref<128x128xf32, #tpu.memory_space<vmem_shared>>) target_semaphore(%run_scoped3A_181 : memref<!tpu.dma_semaphore, #tpu.memory_space<semaphore_mem>>)
        %dma_wait3A = arith.constant 0 : i32
        %dma_wait3A_193 = arith.constant 0 : i32
        %dma_wait3A_194 = tpu.memref_slice %arg9[%run_scoped3A_180, %dma_wait3A, %dma_wait3A_193] : memref<2x128x128xf32, #tpu.memory_space<vmem>> -> memref<1x128x128xf32, #tpu.memory_space<vmem>>
        %dma_wait3A_195 = tpu.memref_squeeze %dma_wait3A_194 : memref<1x128x128xf32, #tpu.memory_space<vmem>> -> memref<128x128xf32, #tpu.memory_space<vmem>>
        %dma_wait3A_196 = arith.constant 0 : i32
        %dma_wait3A_197 = tpu.memref_slice %arg10[%mul3A_179, %dma_wait3A_196] : memref<5248x128xf32, #tpu.memory_space<vmem_shared>> -> memref<128x128xf32, #tpu.memory_space<vmem_shared>>
        %dma_wait3A_198 = arith.constant 0 : i32
        %dma_wait3A_199 = tpu.memref_slice %arg10[%mul3A_179, %dma_wait3A_198] : memref<5248x128xf32, #tpu.memory_space<vmem_shared>> -> memref<128x128xf32, #tpu.memory_space<vmem_shared>>
        %dma_wait3A_200 = arith.constant 0 : i32
        %dma_wait3A_201 = arith.constant 0 : i32
        %dma_wait3A_202 = tpu.memref_slice %arg9[%run_scoped3A_180, %dma_wait3A_200, %dma_wait3A_201] : memref<2x128x128xf32, #tpu.memory_space<vmem>> -> memref<1x128x128xf32, #tpu.memory_space<vmem>>
        %dma_wait3A_203 = tpu.memref_squeeze %dma_wait3A_202 : memref<1x128x128xf32, #tpu.memory_space<vmem>> -> memref<128x128xf32, #tpu.memory_space<vmem>>
        tpu.wait_dma2 semaphore(%run_scoped3A_181 : memref<!tpu.dma_semaphore, #tpu.memory_space<semaphore_mem>>) src(%dma_wait3A_203 : memref<128x128xf32, #tpu.memory_space<vmem>>) dst(%dma_wait3A_199 : memref<128x128xf32, #tpu.memory_space<vmem_shared>>)
        tpu.yield
      }) : () -> ()
    }
    %barrier3A = arith.constant 0 : index
    tpu.barrier barrier_id(%barrier3A)
    %while3A_161 = arith.constant 0 : i32
    %while3A_162 = arith.constant 0 : i32
    %while3A_163 = arith.subi %select_n3A, %while3A_162 : i32
    %while3A_164 = arith.addi %while3A_162, %while3A_163 : i32
    %while3A_165 = arith.constant 1 : i32
    %while3A_166 = arith.divsi %while3A_163, %while3A_165 : i32
    %while3A_167 = arith.muli %while3A_166, %while3A_165 : i32
    %while3A_168 = arith.addi %while3A_162, %while3A_167 : i32
    %while3A_169 = arith.constant 1 : i32
    scf.for %while3A_174 = %while3A_162 to %while3A_168 step %while3A_169  : i32 {
      %mul3A_175 = arith.constant 2 : i32
      %mul3A_176 = arith.muli %while3A_174, %mul3A_175 : i32
      %add3A_177 = arith.constant 0 : i32
      %add3A_178 = arith.addi %mul3A_176, %add3A_177 : i32
      %mul3A_179 = arith.constant 128 : i32
      %mul3A_180 = arith.muli %add3A_178, %mul3A_179 : i32
      %add3A_181 = arith.constant 0 : i32
      %add3A_182 = arith.addi %mul3A_180, %add3A_181 : i32
      %get3A = arith.index_cast %add3A_182 : i32 to index
      %get3A_183 = tpu.vector_load %arg5[%get3A] {strides = array<i32>} : memref<20752xi32, #tpu.memory_space<vmem>>, vector<16xi32>,
      %swap3A = arith.constant 0 : i32
      %swap3A_184 = arith.index_cast %swap3A : i32 to index
      %swap3A_185 = arith.constant 0 : index
      %swap3A_186 = tpu.vector_load %arg7[%swap3A_184, %swap3A_185] {strides = array<i32>} : memref<2x128xi32, #tpu.memory_space<vmem>>, vector<16xi32>,
      tpu.vector_store %arg7[%swap3A_184, %swap3A_185], %get3A_183 {strides = array<i32>} : memref<2x128xi32, #tpu.memory_space<vmem>>, vector<16xi32>,
      %mul3A_187 = arith.constant 128 : i32
      %mul3A_188 = arith.muli %add3A_178, %mul3A_187 : i32
      %add3A_189 = arith.constant 0 : i32
      %add3A_190 = arith.addi %mul3A_188, %add3A_189 : i32
      %get3A_191 = arith.index_cast %add3A_190 : i32 to index
      %get3A_192 = tpu.vector_load %arg6[%get3A_191] {strides = array<i32>} : memref<20752xi32, #tpu.memory_space<vmem>>, vector<16xi32>,
      %swap3A_193 = arith.constant 0 : i32
      %swap3A_194 = arith.index_cast %swap3A_193 : i32 to index
      %swap3A_195 = arith.constant 0 : index
      %swap3A_196 = tpu.vector_load %arg8[%swap3A_194, %swap3A_195] {strides = array<i32>} : memref<2x128xi32, #tpu.memory_space<vmem>>, vector<16xi32>,
      tpu.vector_store %arg8[%swap3A_194, %swap3A_195], %get3A_192 {strides = array<i32>} : memref<2x128xi32, #tpu.memory_space<vmem>>, vector<16xi32>,
      %mul3A_197 = arith.constant 128 : i32
      %mul3A_198 = arith.muli %add3A_178, %mul3A_197 : i32
      %add3A_199 = arith.constant 16 : i32
      %add3A_200 = arith.addi %mul3A_198, %add3A_199 : i32
      %get3A_201 = arith.index_cast %add3A_200 : i32 to index
      %get3A_202 = tpu.vector_load %arg5[%get3A_201] {strides = array<i32>} : memref<20752xi32, #tpu.memory_space<vmem>>, vector<16xi32>,
      %swap3A_203 = arith.constant 0 : i32
      %swap3A_204 = arith.index_cast %swap3A_203 : i32 to index
      %swap3A_205 = arith.constant 16 : index
      %swap3A_206 = tpu.vector_load %arg7[%swap3A_204, %swap3A_205] {strides = array<i32>} : memref<2x128xi32, #tpu.memory_space<vmem>>, vector<16xi32>,
      tpu.vector_store %arg7[%swap3A_204, %swap3A_205], %get3A_202 {strides = array<i32>} : memref<2x128xi32, #tpu.memory_space<vmem>>, vector<16xi32>,
      %mul3A_207 = arith.constant 128 : i32
      %mul3A_208 = arith.muli %add3A_178, %mul3A_207 : i32
      %add3A_209 = arith.constant 16 : i32
      %add3A_210 = arith.addi %mul3A_208, %add3A_209 : i32
      %get3A_211 = arith.index_cast %add3A_210 : i32 to index
      %get3A_212 = tpu.vector_load %arg6[%get3A_211] {strides = array<i32>} : memref<20752xi32, #tpu.memory_space<vmem>>, vector<16xi32>,
      %swap3A_213 = arith.constant 0 : i32
      %swap3A_214 = arith.index_cast %swap3A_213 : i32 to index
      %swap3A_215 = arith.constant 16 : index
      %swap3A_216 = tpu.vector_load %arg8[%swap3A_214, %swap3A_215] {strides = array<i32>} : memref<2x128xi32, #tpu.memory_space<vmem>>, vector<16xi32>,
      tpu.vector_store %arg8[%swap3A_214, %swap3A_215], %get3A_212 {strides = array<i32>} : memref<2x128xi32, #tpu.memory_space<vmem>>, vector<16xi32>,
      %mul3A_217 = arith.constant 128 : i32
      %mul3A_218 = arith.muli %add3A_178, %mul3A_217 : i32
      %add3A_219 = arith.constant 32 : i32
      %add3A_220 = arith.addi %mul3A_218, %add3A_219 : i32
      %get3A_221 = arith.index_cast %add3A_220 : i32 to index
      %get3A_222 = tpu.vector_load %arg5[%get3A_221] {strides = array<i32>} : memref<20752xi32, #tpu.memory_space<vmem>>, vector<16xi32>,
      %swap3A_223 = arith.constant 0 : i32
      %swap3A_224 = arith.index_cast %swap3A_223 : i32 to index
      %swap3A_225 = arith.constant 32 : index
      %swap3A_226 = tpu.vector_load %arg7[%swap3A_224, %swap3A_225] {strides = array<i32>} : memref<2x128xi32, #tpu.memory_space<vmem>>, vector<16xi32>,
      tpu.vector_store %arg7[%swap3A_224, %swap3A_225], %get3A_222 {strides = array<i32>} : memref<2x128xi32, #tpu.memory_space<vmem>>, vector<16xi32>,
      %mul3A_227 = arith.constant 128 : i32
      %mul3A_228 = arith.muli %add3A_178, %mul3A_227 : i32
      %add3A_229 = arith.constant 32 : i32
      %add3A_230 = arith.addi %mul3A_228, %add3A_229 : i32
      %get3A_231 = arith.index_cast %add3A_230 : i32 to index
      %get3A_232 = tpu.vector_load %arg6[%get3A_231] {strides = array<i32>} : memref<20752xi32, #tpu.memory_space<vmem>>, vector<16xi32>,
      %swap3A_233 = arith.constant 0 : i32
      %swap3A_234 = arith.index_cast %swap3A_233 : i32 to index
      %swap3A_235 = arith.constant 32 : index
      %swap3A_236 = tpu.vector_load %arg8[%swap3A_234, %swap3A_235] {strides = array<i32>} : memref<2x128xi32, #tpu.memory_space<vmem>>, vector<16xi32>,
      tpu.vector_store %arg8[%swap3A_234, %swap3A_235], %get3A_232 {strides = array<i32>} : memref<2x128xi32, #tpu.memory_space<vmem>>, vector<16xi32>,
      %mul3A_237 = arith.constant 128 : i32
      %mul3A_238 = arith.muli %add3A_178, %mul3A_237 : i32
      %add3A_239 = arith.constant 48 : i32
      %add3A_240 = arith.addi %mul3A_238, %add3A_239 : i32
      %get3A_241 = arith.index_cast %add3A_240 : i32 to index
      %get3A_242 = tpu.vector_load %arg5[%get3A_241] {strides = array<i32>} : memref<20752xi32, #tpu.memory_space<vmem>>, vector<16xi32>,
      %swap3A_243 = arith.constant 0 : i32
      %swap3A_244 = arith.index_cast %swap3A_243 : i32 to index
      %swap3A_245 = arith.constant 48 : index
      %swap3A_246 = tpu.vector_load %arg7[%swap3A_244, %swap3A_245] {strides = array<i32>} : memref<2x128xi32, #tpu.memory_space<vmem>>, vector<16xi32>,
      tpu.vector_store %arg7[%swap3A_244, %swap3A_245], %get3A_242 {strides = array<i32>} : memref<2x128xi32, #tpu.memory_space<vmem>>, vector<16xi32>,
      %mul3A_247 = arith.constant 128 : i32
      %mul3A_248 = arith.muli %add3A_178, %mul3A_247 : i32
      %add3A_249 = arith.constant 48 : i32
      %add3A_250 = arith.addi %mul3A_248, %add3A_249 : i32
      %get3A_251 = arith.index_cast %add3A_250 : i32 to index
      %get3A_252 = tpu.vector_load %arg6[%get3A_251] {strides = array<i32>} : memref<20752xi32, #tpu.memory_space<vmem>>, vector<16xi32>,
      %swap3A_253 = arith.constant 0 : i32
      %swap3A_254 = arith.index_cast %swap3A_253 : i32 to index
      %swap3A_255 = arith.constant 48 : index
      %swap3A_256 = tpu.vector_load %arg8[%swap3A_254, %swap3A_255] {strides = array<i32>} : memref<2x128xi32, #tpu.memory_space<vmem>>, vector<16xi32>,
      tpu.vector_store %arg8[%swap3A_254, %swap3A_255], %get3A_252 {strides = array<i32>} : memref<2x128xi32, #tpu.memory_space<vmem>>, vector<16xi32>,
      %mul3A_257 = arith.constant 128 : i32
      %mul3A_258 = arith.muli %add3A_178, %mul3A_257 : i32
      %add3A_259 = arith.constant 64 : i32
      %add3A_260 = arith.addi %mul3A_258, %add3A_259 : i32
      %get3A_261 = arith.index_cast %add3A_260 : i32 to index
      %get3A_262 = tpu.vector_load %arg5[%get3A_261] {strides = array<i32>} : memref<20752xi32, #tpu.memory_space<vmem>>, vector<16xi32>,
      %swap3A_263 = arith.constant 0 : i32
      %swap3A_264 = arith.index_cast %swap3A_263 : i32 to index
      %swap3A_265 = arith.constant 64 : index
      %swap3A_266 = tpu.vector_load %arg7[%swap3A_264, %swap3A_265] {strides = array<i32>} : memref<2x128xi32, #tpu.memory_space<vmem>>, vector<16xi32>,
      tpu.vector_store %arg7[%swap3A_264, %swap3A_265], %get3A_262 {strides = array<i32>} : memref<2x128xi32, #tpu.memory_space<vmem>>, vector<16xi32>,
      %mul3A_267 = arith.constant 128 : i32
      %mul3A_268 = arith.muli %add3A_178, %mul3A_267 : i32
      %add3A_269 = arith.constant 64 : i32
      %add3A_270 = arith.addi %mul3A_268, %add3A_269 : i32
      %get3A_271 = arith.index_cast %add3A_270 : i32 to index
      %get3A_272 = tpu.vector_load %arg6[%get3A_271] {strides = array<i32>} : memref<20752xi32, #tpu.memory_space<vmem>>, vector<16xi32>,
      %swap3A_273 = arith.constant 0 : i32
      %swap3A_274 = arith.index_cast %swap3A_273 : i32 to index
      %swap3A_275 = arith.constant 64 : index
      %swap3A_276 = tpu.vector_load %arg8[%swap3A_274, %swap3A_275] {strides = array<i32>} : memref<2x128xi32, #tpu.memory_space<vmem>>, vector<16xi32>,
      tpu.vector_store %arg8[%swap3A_274, %swap3A_275], %get3A_272 {strides = array<i32>} : memref<2x128xi32, #tpu.memory_space<vmem>>, vector<16xi32>,
      %mul3A_277 = arith.constant 128 : i32
      %mul3A_278 = arith.muli %add3A_178, %mul3A_277 : i32
      %add3A_279 = arith.constant 80 : i32
      %add3A_280 = arith.addi %mul3A_278, %add3A_279 : i32
      %get3A_281 = arith.index_cast %add3A_280 : i32 to index
      %get3A_282 = tpu.vector_load %arg5[%get3A_281] {strides = array<i32>} : memref<20752xi32, #tpu.memory_space<vmem>>, vector<16xi32>,
      %swap3A_283 = arith.constant 0 : i32
      %swap3A_284 = arith.index_cast %swap3A_283 : i32 to index
      %swap3A_285 = arith.constant 80 : index
      %swap3A_286 = tpu.vector_load %arg7[%swap3A_284, %swap3A_285] {strides = array<i32>} : memref<2x128xi32, #tpu.memory_space<vmem>>, vector<16xi32>,
      tpu.vector_store %arg7[%swap3A_284, %swap3A_285], %get3A_282 {strides = array<i32>} : memref<2x128xi32, #tpu.memory_space<vmem>>, vector<16xi32>,
      %mul3A_287 = arith.constant 128 : i32
      %mul3A_288 = arith.muli %add3A_178, %mul3A_287 : i32
      %add3A_289 = arith.constant 80 : i32
      %add3A_290 = arith.addi %mul3A_288, %add3A_289 : i32
      %get3A_291 = arith.index_cast %add3A_290 : i32 to index
      %get3A_292 = tpu.vector_load %arg6[%get3A_291] {strides = array<i32>} : memref<20752xi32, #tpu.memory_space<vmem>>, vector<16xi32>,
      %swap3A_293 = arith.constant 0 : i32
      %swap3A_294 = arith.index_cast %swap3A_293 : i32 to index
      %swap3A_295 = arith.constant 80 : index
      %swap3A_296 = tpu.vector_load %arg8[%swap3A_294, %swap3A_295] {strides = array<i32>} : memref<2x128xi32, #tpu.memory_space<vmem>>, vector<16xi32>,
      tpu.vector_store %arg8[%swap3A_294, %swap3A_295], %get3A_292 {strides = array<i32>} : memref<2x128xi32, #tpu.memory_space<vmem>>, vector<16xi32>,
      %mul3A_297 = arith.constant 128 : i32
      %mul3A_298 = arith.muli %add3A_178, %mul3A_297 : i32
      %add3A_299 = arith.constant 96 : i32
      %add3A_300 = arith.addi %mul3A_298, %add3A_299 : i32
      %get3A_301 = arith.index_cast %add3A_300 : i32 to index
      %get3A_302 = tpu.vector_load %arg5[%get3A_301] {strides = array<i32>} : memref<20752xi32, #tpu.memory_space<vmem>>, vector<16xi32>,
      %swap3A_303 = arith.constant 0 : i32
      %swap3A_304 = arith.index_cast %swap3A_303 : i32 to index
      %swap3A_305 = arith.constant 96 : index
      %swap3A_306 = tpu.vector_load %arg7[%swap3A_304, %swap3A_305] {strides = array<i32>} : memref<2x128xi32, #tpu.memory_space<vmem>>, vector<16xi32>,
      tpu.vector_store %arg7[%swap3A_304, %swap3A_305], %get3A_302 {strides = array<i32>} : memref<2x128xi32, #tpu.memory_space<vmem>>, vector<16xi32>,
      %mul3A_307 = arith.constant 128 : i32
      %mul3A_308 = arith.muli %add3A_178, %mul3A_307 : i32
      %add3A_309 = arith.constant 96 : i32
      %add3A_310 = arith.addi %mul3A_308, %add3A_309 : i32
      %get3A_311 = arith.index_cast %add3A_310 : i32 to index
      %get3A_312 = tpu.vector_load %arg6[%get3A_311] {strides = array<i32>} : memref<20752xi32, #tpu.memory_space<vmem>>, vector<16xi32>,
      %swap3A_313 = arith.constant 0 : i32
      %swap3A_314 = arith.index_cast %swap3A_313 : i32 to index
      %swap3A_315 = arith.constant 96 : index
      %swap3A_316 = tpu.vector_load %arg8[%swap3A_314, %swap3A_315] {strides = array<i32>} : memref<2x128xi32, #tpu.memory_space<vmem>>, vector<16xi32>,
      tpu.vector_store %arg8[%swap3A_314, %swap3A_315], %get3A_312 {strides = array<i32>} : memref<2x128xi32, #tpu.memory_space<vmem>>, vector<16xi32>,
      %mul3A_317 = arith.constant 128 : i32
      %mul3A_318 = arith.muli %add3A_178, %mul3A_317 : i32
      %add3A_319 = arith.constant 112 : i32
      %add3A_320 = arith.addi %mul3A_318, %add3A_319 : i32
      %get3A_321 = arith.index_cast %add3A_320 : i32 to index
      %get3A_322 = tpu.vector_load %arg5[%get3A_321] {strides = array<i32>} : memref<20752xi32, #tpu.memory_space<vmem>>, vector<16xi32>,
      %swap3A_323 = arith.constant 0 : i32
      %swap3A_324 = arith.index_cast %swap3A_323 : i32 to index
      %swap3A_325 = arith.constant 112 : index
      %swap3A_326 = tpu.vector_load %arg7[%swap3A_324, %swap3A_325] {strides = array<i32>} : memref<2x128xi32, #tpu.memory_space<vmem>>, vector<16xi32>,
      tpu.vector_store %arg7[%swap3A_324, %swap3A_325], %get3A_322 {strides = array<i32>} : memref<2x128xi32, #tpu.memory_space<vmem>>, vector<16xi32>,
      %mul3A_327 = arith.constant 128 : i32
      %mul3A_328 = arith.muli %add3A_178, %mul3A_327 : i32
      %add3A_329 = arith.constant 112 : i32
      %add3A_330 = arith.addi %mul3A_328, %add3A_329 : i32
      %get3A_331 = arith.index_cast %add3A_330 : i32 to index
      %get3A_332 = tpu.vector_load %arg6[%get3A_331] {strides = array<i32>} : memref<20752xi32, #tpu.memory_space<vmem>>, vector<16xi32>,
      %swap3A_333 = arith.constant 0 : i32
      %swap3A_334 = arith.index_cast %swap3A_333 : i32 to index
      %swap3A_335 = arith.constant 112 : index
      %swap3A_336 = tpu.vector_load %arg8[%swap3A_334, %swap3A_335] {strides = array<i32>} : memref<2x128xi32, #tpu.memory_space<vmem>>, vector<16xi32>,
      tpu.vector_store %arg8[%swap3A_334, %swap3A_335], %get3A_332 {strides = array<i32>} : memref<2x128xi32, #tpu.memory_space<vmem>>, vector<16xi32>,
      %mul3A_337 = arith.constant 2 : i32
      %mul3A_338 = arith.muli %while3A_174, %mul3A_337 : i32
      %add3A_339 = arith.constant 1 : i32
      %add3A_340 = arith.addi %mul3A_338, %add3A_339 : i32
      %mul3A_341 = arith.constant 128 : i32
      %mul3A_342 = arith.muli %add3A_340, %mul3A_341 : i32
      %add3A_343 = arith.constant 0 : i32
      %add3A_344 = arith.addi %mul3A_342, %add3A_343 : i32
      %get3A_345 = arith.index_cast %add3A_344 : i32 to index
      %get3A_346 = tpu.vector_load %arg5[%get3A_345] {strides = array<i32>} : memref<20752xi32, #tpu.memory_space<vmem>>, vector<16xi32>,
      %swap3A_347 = arith.constant 1 : i32
      %swap3A_348 = arith.index_cast %swap3A_347 : i32 to index
      %swap3A_349 = arith.constant 0 : index
      %swap3A_350 = tpu.vector_load %arg7[%swap3A_348, %swap3A_349] {strides = array<i32>} : memref<2x128xi32, #tpu.memory_space<vmem>>, vector<16xi32>,
      tpu.vector_store %arg7[%swap3A_348, %swap3A_349], %get3A_346 {strides = array<i32>} : memref<2x128xi32, #tpu.memory_space<vmem>>, vector<16xi32>,
      %mul3A_351 = arith.constant 128 : i32
      %mul3A_352 = arith.muli %add3A_340, %mul3A_351 : i32
      %add3A_353 = arith.constant 0 : i32
      %add3A_354 = arith.addi %mul3A_352, %add3A_353 : i32
      %get3A_355 = arith.index_cast %add3A_354 : i32 to index
      %get3A_356 = tpu.vector_load %arg6[%get3A_355] {strides = array<i32>} : memref<20752xi32, #tpu.memory_space<vmem>>, vector<16xi32>,
      %swap3A_357 = arith.constant 1 : i32
      %swap3A_358 = arith.index_cast %swap3A_357 : i32 to index
      %swap3A_359 = arith.constant 0 : index
      %swap3A_360 = tpu.vector_load %arg8[%swap3A_358, %swap3A_359] {strides = array<i32>} : memref<2x128xi32, #tpu.memory_space<vmem>>, vector<16xi32>,
      tpu.vector_store %arg8[%swap3A_358, %swap3A_359], %get3A_356 {strides = array<i32>} : memref<2x128xi32, #tpu.memory_space<vmem>>, vector<16xi32>,
      %mul3A_361 = arith.constant 128 : i32
      %mul3A_362 = arith.muli %add3A_340, %mul3A_361 : i32
      %add3A_363 = arith.constant 16 : i32
      %add3A_364 = arith.addi %mul3A_362, %add3A_363 : i32
      %get3A_365 = arith.index_cast %add3A_364 : i32 to index
      %get3A_366 = tpu.vector_load %arg5[%get3A_365] {strides = array<i32>} : memref<20752xi32, #tpu.memory_space<vmem>>, vector<16xi32>,
      %swap3A_367 = arith.constant 1 : i32
      %swap3A_368 = arith.index_cast %swap3A_367 : i32 to index
      %swap3A_369 = arith.constant 16 : index
      %swap3A_370 = tpu.vector_load %arg7[%swap3A_368, %swap3A_369] {strides = array<i32>} : memref<2x128xi32, #tpu.memory_space<vmem>>, vector<16xi32>,
      tpu.vector_store %arg7[%swap3A_368, %swap3A_369], %get3A_366 {strides = array<i32>} : memref<2x128xi32, #tpu.memory_space<vmem>>, vector<16xi32>,
      %mul3A_371 = arith.constant 128 : i32
      %mul3A_372 = arith.muli %add3A_340, %mul3A_371 : i32
      %add3A_373 = arith.constant 16 : i32
      %add3A_374 = arith.addi %mul3A_372, %add3A_373 : i32
      %get3A_375 = arith.index_cast %add3A_374 : i32 to index
      %get3A_376 = tpu.vector_load %arg6[%get3A_375] {strides = array<i32>} : memref<20752xi32, #tpu.memory_space<vmem>>, vector<16xi32>,
      %swap3A_377 = arith.constant 1 : i32
      %swap3A_378 = arith.index_cast %swap3A_377 : i32 to index
      %swap3A_379 = arith.constant 16 : index
      %swap3A_380 = tpu.vector_load %arg8[%swap3A_378, %swap3A_379] {strides = array<i32>} : memref<2x128xi32, #tpu.memory_space<vmem>>, vector<16xi32>,
      tpu.vector_store %arg8[%swap3A_378, %swap3A_379], %get3A_376 {strides = array<i32>} : memref<2x128xi32, #tpu.memory_space<vmem>>, vector<16xi32>,
      %mul3A_381 = arith.constant 128 : i32
      %mul3A_382 = arith.muli %add3A_340, %mul3A_381 : i32
      %add3A_383 = arith.constant 32 : i32
      %add3A_384 = arith.addi %mul3A_382, %add3A_383 : i32
      %get3A_385 = arith.index_cast %add3A_384 : i32 to index
      %get3A_386 = tpu.vector_load %arg5[%get3A_385] {strides = array<i32>} : memref<20752xi32, #tpu.memory_space<vmem>>, vector<16xi32>,
      %swap3A_387 = arith.constant 1 : i32
      %swap3A_388 = arith.index_cast %swap3A_387 : i32 to index
      %swap3A_389 = arith.constant 32 : index
      %swap3A_390 = tpu.vector_load %arg7[%swap3A_388, %swap3A_389] {strides = array<i32>} : memref<2x128xi32, #tpu.memory_space<vmem>>, vector<16xi32>,
      tpu.vector_store %arg7[%swap3A_388, %swap3A_389], %get3A_386 {strides = array<i32>} : memref<2x128xi32, #tpu.memory_space<vmem>>, vector<16xi32>,
      %mul3A_391 = arith.constant 128 : i32
      %mul3A_392 = arith.muli %add3A_340, %mul3A_391 : i32
      %add3A_393 = arith.constant 32 : i32
      %add3A_394 = arith.addi %mul3A_392, %add3A_393 : i32
      %get3A_395 = arith.index_cast %add3A_394 : i32 to index
      %get3A_396 = tpu.vector_load %arg6[%get3A_395] {strides = array<i32>} : memref<20752xi32, #tpu.memory_space<vmem>>, vector<16xi32>,
      %swap3A_397 = arith.constant 1 : i32
      %swap3A_398 = arith.index_cast %swap3A_397 : i32 to index
      %swap3A_399 = arith.constant 32 : index
      %swap3A_400 = tpu.vector_load %arg8[%swap3A_398, %swap3A_399] {strides = array<i32>} : memref<2x128xi32, #tpu.memory_space<vmem>>, vector<16xi32>,
      tpu.vector_store %arg8[%swap3A_398, %swap3A_399], %get3A_396 {strides = array<i32>} : memref<2x128xi32, #tpu.memory_space<vmem>>, vector<16xi32>,
      %mul3A_401 = arith.constant 128 : i32
      %mul3A_402 = arith.muli %add3A_340, %mul3A_401 : i32
      %add3A_403 = arith.constant 48 : i32
      %add3A_404 = arith.addi %mul3A_402, %add3A_403 : i32
      %get3A_405 = arith.index_cast %add3A_404 : i32 to index
      %get3A_406 = tpu.vector_load %arg5[%get3A_405] {strides = array<i32>} : memref<20752xi32, #tpu.memory_space<vmem>>, vector<16xi32>,
      %swap3A_407 = arith.constant 1 : i32
      %swap3A_408 = arith.index_cast %swap3A_407 : i32 to index
      %swap3A_409 = arith.constant 48 : index
      %swap3A_410 = tpu.vector_load %arg7[%swap3A_408, %swap3A_409] {strides = array<i32>} : memref<2x128xi32, #tpu.memory_space<vmem>>, vector<16xi32>,
      tpu.vector_store %arg7[%swap3A_408, %swap3A_409], %get3A_406 {strides = array<i32>} : memref<2x128xi32, #tpu.memory_space<vmem>>, vector<16xi32>,
      %mul3A_411 = arith.constant 128 : i32
      %mul3A_412 = arith.muli %add3A_340, %mul3A_411 : i32
      %add3A_413 = arith.constant 48 : i32
      %add3A_414 = arith.addi %mul3A_412, %add3A_413 : i32
      %get3A_415 = arith.index_cast %add3A_414 : i32 to index
      %get3A_416 = tpu.vector_load %arg6[%get3A_415] {strides = array<i32>} : memref<20752xi32, #tpu.memory_space<vmem>>, vector<16xi32>,
      %swap3A_417 = arith.constant 1 : i32
      %swap3A_418 = arith.index_cast %swap3A_417 : i32 to index
      %swap3A_419 = arith.constant 48 : index
      %swap3A_420 = tpu.vector_load %arg8[%swap3A_418, %swap3A_419] {strides = array<i32>} : memref<2x128xi32, #tpu.memory_space<vmem>>, vector<16xi32>,
      tpu.vector_store %arg8[%swap3A_418, %swap3A_419], %get3A_416 {strides = array<i32>} : memref<2x128xi32, #tpu.memory_space<vmem>>, vector<16xi32>,
      %mul3A_421 = arith.constant 128 : i32
      %mul3A_422 = arith.muli %add3A_340, %mul3A_421 : i32
      %add3A_423 = arith.constant 64 : i32
      %add3A_424 = arith.addi %mul3A_422, %add3A_423 : i32
      %get3A_425 = arith.index_cast %add3A_424 : i32 to index
      %get3A_426 = tpu.vector_load %arg5[%get3A_425] {strides = array<i32>} : memref<20752xi32, #tpu.memory_space<vmem>>, vector<16xi32>,
      %swap3A_427 = arith.constant 1 : i32
      %swap3A_428 = arith.index_cast %swap3A_427 : i32 to index
      %swap3A_429 = arith.constant 64 : index
      %swap3A_430 = tpu.vector_load %arg7[%swap3A_428, %swap3A_429] {strides = array<i32>} : memref<2x128xi32, #tpu.memory_space<vmem>>, vector<16xi32>,
      tpu.vector_store %arg7[%swap3A_428, %swap3A_429], %get3A_426 {strides = array<i32>} : memref<2x128xi32, #tpu.memory_space<vmem>>, vector<16xi32>,
      %mul3A_431 = arith.constant 128 : i32
      %mul3A_432 = arith.muli %add3A_340, %mul3A_431 : i32
      %add3A_433 = arith.constant 64 : i32
      %add3A_434 = arith.addi %mul3A_432, %add3A_433 : i32
      %get3A_435 = arith.index_cast %add3A_434 : i32 to index
      %get3A_436 = tpu.vector_load %arg6[%get3A_435] {strides = array<i32>} : memref<20752xi32, #tpu.memory_space<vmem>>, vector<16xi32>,
      %swap3A_437 = arith.constant 1 : i32
      %swap3A_438 = arith.index_cast %swap3A_437 : i32 to index
      %swap3A_439 = arith.constant 64 : index
      %swap3A_440 = tpu.vector_load %arg8[%swap3A_438, %swap3A_439] {strides = array<i32>} : memref<2x128xi32, #tpu.memory_space<vmem>>, vector<16xi32>,
      tpu.vector_store %arg8[%swap3A_438, %swap3A_439], %get3A_436 {strides = array<i32>} : memref<2x128xi32, #tpu.memory_space<vmem>>, vector<16xi32>,
      %mul3A_441 = arith.constant 128 : i32
      %mul3A_442 = arith.muli %add3A_340, %mul3A_441 : i32
      %add3A_443 = arith.constant 80 : i32
      %add3A_444 = arith.addi %mul3A_442, %add3A_443 : i32
      %get3A_445 = arith.index_cast %add3A_444 : i32 to index
      %get3A_446 = tpu.vector_load %arg5[%get3A_445] {strides = array<i32>} : memref<20752xi32, #tpu.memory_space<vmem>>, vector<16xi32>,
      %swap3A_447 = arith.constant 1 : i32
      %swap3A_448 = arith.index_cast %swap3A_447 : i32 to index
      %swap3A_449 = arith.constant 80 : index
      %swap3A_450 = tpu.vector_load %arg7[%swap3A_448, %swap3A_449] {strides = array<i32>} : memref<2x128xi32, #tpu.memory_space<vmem>>, vector<16xi32>,
      tpu.vector_store %arg7[%swap3A_448, %swap3A_449], %get3A_446 {strides = array<i32>} : memref<2x128xi32, #tpu.memory_space<vmem>>, vector<16xi32>,
      %mul3A_451 = arith.constant 128 : i32
      %mul3A_452 = arith.muli %add3A_340, %mul3A_451 : i32
      %add3A_453 = arith.constant 80 : i32
      %add3A_454 = arith.addi %mul3A_452, %add3A_453 : i32
      %get3A_455 = arith.index_cast %add3A_454 : i32 to index
      %get3A_456 = tpu.vector_load %arg6[%get3A_455] {strides = array<i32>} : memref<20752xi32, #tpu.memory_space<vmem>>, vector<16xi32>,
      %swap3A_457 = arith.constant 1 : i32
      %swap3A_458 = arith.index_cast %swap3A_457 : i32 to index
      %swap3A_459 = arith.constant 80 : index
      %swap3A_460 = tpu.vector_load %arg8[%swap3A_458, %swap3A_459] {strides = array<i32>} : memref<2x128xi32, #tpu.memory_space<vmem>>, vector<16xi32>,
      tpu.vector_store %arg8[%swap3A_458, %swap3A_459], %get3A_456 {strides = array<i32>} : memref<2x128xi32, #tpu.memory_space<vmem>>, vector<16xi32>,
      %mul3A_461 = arith.constant 128 : i32
      %mul3A_462 = arith.muli %add3A_340, %mul3A_461 : i32
      %add3A_463 = arith.constant 96 : i32
      %add3A_464 = arith.addi %mul3A_462, %add3A_463 : i32
      %get3A_465 = arith.index_cast %add3A_464 : i32 to index
      %get3A_466 = tpu.vector_load %arg5[%get3A_465] {strides = array<i32>} : memref<20752xi32, #tpu.memory_space<vmem>>, vector<16xi32>,
      %swap3A_467 = arith.constant 1 : i32
      %swap3A_468 = arith.index_cast %swap3A_467 : i32 to index
      %swap3A_469 = arith.constant 96 : index
      %swap3A_470 = tpu.vector_load %arg7[%swap3A_468, %swap3A_469] {strides = array<i32>} : memref<2x128xi32, #tpu.memory_space<vmem>>, vector<16xi32>,
      tpu.vector_store %arg7[%swap3A_468, %swap3A_469], %get3A_466 {strides = array<i32>} : memref<2x128xi32, #tpu.memory_space<vmem>>, vector<16xi32>,
      %mul3A_471 = arith.constant 128 : i32
      %mul3A_472 = arith.muli %add3A_340, %mul3A_471 : i32
      %add3A_473 = arith.constant 96 : i32
      %add3A_474 = arith.addi %mul3A_472, %add3A_473 : i32
      %get3A_475 = arith.index_cast %add3A_474 : i32 to index
      %get3A_476 = tpu.vector_load %arg6[%get3A_475] {strides = array<i32>} : memref<20752xi32, #tpu.memory_space<vmem>>, vector<16xi32>,
      %swap3A_477 = arith.constant 1 : i32
      %swap3A_478 = arith.index_cast %swap3A_477 : i32 to index
      %swap3A_479 = arith.constant 96 : index
      %swap3A_480 = tpu.vector_load %arg8[%swap3A_478, %swap3A_479] {strides = array<i32>} : memref<2x128xi32, #tpu.memory_space<vmem>>, vector<16xi32>,
      tpu.vector_store %arg8[%swap3A_478, %swap3A_479], %get3A_476 {strides = array<i32>} : memref<2x128xi32, #tpu.memory_space<vmem>>, vector<16xi32>,
      %mul3A_481 = arith.constant 128 : i32
      %mul3A_482 = arith.muli %add3A_340, %mul3A_481 : i32
      %add3A_483 = arith.constant 112 : i32
      %add3A_484 = arith.addi %mul3A_482, %add3A_483 : i32
      %get3A_485 = arith.index_cast %add3A_484 : i32 to index
      %get3A_486 = tpu.vector_load %arg5[%get3A_485] {strides = array<i32>} : memref<20752xi32, #tpu.memory_space<vmem>>, vector<16xi32>,
      %swap3A_487 = arith.constant 1 : i32
      %swap3A_488 = arith.index_cast %swap3A_487 : i32 to index
      %swap3A_489 = arith.constant 112 : index
      %swap3A_490 = tpu.vector_load %arg7[%swap3A_488, %swap3A_489] {strides = array<i32>} : memref<2x128xi32, #tpu.memory_space<vmem>>, vector<16xi32>,
      tpu.vector_store %arg7[%swap3A_488, %swap3A_489], %get3A_486 {strides = array<i32>} : memref<2x128xi32, #tpu.memory_space<vmem>>, vector<16xi32>,
      %mul3A_491 = arith.constant 128 : i32
      %mul3A_492 = arith.muli %add3A_340, %mul3A_491 : i32
      %add3A_493 = arith.constant 112 : i32
      %add3A_494 = arith.addi %mul3A_492, %add3A_493 : i32
      %get3A_495 = arith.index_cast %add3A_494 : i32 to index
      %get3A_496 = tpu.vector_load %arg6[%get3A_495] {strides = array<i32>} : memref<20752xi32, #tpu.memory_space<vmem>>, vector<16xi32>,
      %swap3A_497 = arith.constant 1 : i32
      %swap3A_498 = arith.index_cast %swap3A_497 : i32 to index
      %swap3A_499 = arith.constant 112 : index
      %swap3A_500 = tpu.vector_load %arg8[%swap3A_498, %swap3A_499] {strides = array<i32>} : memref<2x128xi32, #tpu.memory_space<vmem>>, vector<16xi32>,
      tpu.vector_store %arg8[%swap3A_498, %swap3A_499], %get3A_496 {strides = array<i32>} : memref<2x128xi32, #tpu.memory_space<vmem>>, vector<16xi32>,
      %dma_start3A = arith.constant 0 : i32
      %dma_start3A_501 = arith.constant 0 : i32
      %dma_start3A_502 = arith.constant 0 : i32
      %dma_start3A_503 = arith.constant 0 : i32
      %dma_start3A_504 = arith.constant 0 : i32
      %dma_start3A_505 = tpu.memref_slice %arg9[%dma_start3A_501, %dma_start3A_503, %dma_start3A_504] : memref<2x128x128xf32, #tpu.memory_space<vmem>> -> memref<1x128x128xf32, #tpu.memory_space<vmem>>
      %dma_start3A_506 = tpu.memref_squeeze %dma_start3A_505 : memref<1x128x128xf32, #tpu.memory_space<vmem>> -> memref<128x128xf32, #tpu.memory_space<vmem>>
      %dma_start3A_507 = arith.constant 0 : i32
      %dma_start3A_508 = tpu.memref_slice %arg7[%dma_start3A, %dma_start3A_507] : memref<2x128xi32, #tpu.memory_space<vmem>> -> memref<1x128xi32, #tpu.memory_space<vmem>>
      %dma_start3A_509 = tpu.memref_squeeze %dma_start3A_508 : memref<1x128xi32, #tpu.memory_space<vmem>> -> memref<128xi32, #tpu.memory_space<vmem>>
      %dma_start3A_510 = arith.constant 0 : i32
      %dma_start3A_511 = arith.constant 0 : i32
      %dma_start3A_512 = tpu.memref_slice %arg2[%dma_start3A_510, %dma_start3A_511] : memref<10240x128xf32, #tpu.memory_space<hbm>> -> memref<10240x128xf32, #tpu.memory_space<hbm>>
      %dma_start3A_513 = tpu.memref_slice %arg11[%dma_start3A_502] : memref<2x!tpu.dma_semaphore, #tpu.memory_space<semaphore_mem>> -> memref<1x!tpu.dma_semaphore, #tpu.memory_space<semaphore_mem>>
      %dma_start3A_514 = tpu.memref_squeeze %dma_start3A_513 : memref<1x!tpu.dma_semaphore, #tpu.memory_space<semaphore_mem>> -> memref<!tpu.dma_semaphore, #tpu.memory_space<semaphore_mem>>
      tpu.enqueue_indirect_dma source(%dma_start3A_512 : memref<10240x128xf32, #tpu.memory_space<hbm>>) target(%dma_start3A_506 : memref<128x128xf32, #tpu.memory_space<vmem>>) offsets(%dma_start3A_509 : memref<128xi32, #tpu.memory_space<vmem>>) semaphore(%dma_start3A_514 : memref<!tpu.dma_semaphore, #tpu.memory_space<semaphore_mem>>)
      %dma_start3A_515 = arith.constant 1 : i32
      %dma_start3A_516 = arith.constant 1 : i32
      %dma_start3A_517 = arith.constant 1 : i32
      %dma_start3A_518 = arith.constant 0 : i32
      %dma_start3A_519 = arith.constant 0 : i32
      %dma_start3A_520 = tpu.memref_slice %arg9[%dma_start3A_516, %dma_start3A_518, %dma_start3A_519] : memref<2x128x128xf32, #tpu.memory_space<vmem>> -> memref<1x128x128xf32, #tpu.memory_space<vmem>>
      %dma_start3A_521 = tpu.memref_squeeze %dma_start3A_520 : memref<1x128x128xf32, #tpu.memory_space<vmem>> -> memref<128x128xf32, #tpu.memory_space<vmem>>
      %dma_start3A_522 = arith.constant 0 : i32
      %dma_start3A_523 = tpu.memref_slice %arg7[%dma_start3A_515, %dma_start3A_522] : memref<2x128xi32, #tpu.memory_space<vmem>> -> memref<1x128xi32, #tpu.memory_space<vmem>>
      %dma_start3A_524 = tpu.memref_squeeze %dma_start3A_523 : memref<1x128xi32, #tpu.memory_space<vmem>> -> memref<128xi32, #tpu.memory_space<vmem>>
      %dma_start3A_525 = arith.constant 0 : i32
      %dma_start3A_526 = arith.constant 0 : i32
      %dma_start3A_527 = tpu.memref_slice %arg2[%dma_start3A_525, %dma_start3A_526] : memref<10240x128xf32, #tpu.memory_space<hbm>> -> memref<10240x128xf32, #tpu.memory_space<hbm>>
      %dma_start3A_528 = tpu.memref_slice %arg11[%dma_start3A_517] : memref<2x!tpu.dma_semaphore, #tpu.memory_space<semaphore_mem>> -> memref<1x!tpu.dma_semaphore, #tpu.memory_space<semaphore_mem>>
      %dma_start3A_529 = tpu.memref_squeeze %dma_start3A_528 : memref<1x!tpu.dma_semaphore, #tpu.memory_space<semaphore_mem>> -> memref<!tpu.dma_semaphore, #tpu.memory_space<semaphore_mem>>
      tpu.enqueue_indirect_dma source(%dma_start3A_527 : memref<10240x128xf32, #tpu.memory_space<hbm>>) target(%dma_start3A_521 : memref<128x128xf32, #tpu.memory_space<vmem>>) offsets(%dma_start3A_524 : memref<128xi32, #tpu.memory_space<vmem>>) semaphore(%dma_start3A_529 : memref<!tpu.dma_semaphore, #tpu.memory_space<semaphore_mem>>)
      %dma_wait3A = arith.constant 0 : i32
      %dma_wait3A_530 = arith.constant 0 : i32
      %dma_wait3A_531 = arith.constant 0 : i32
      %dma_wait3A_532 = arith.constant 0 : i32
      %dma_wait3A_533 = arith.constant 0 : i32
      %dma_wait3A_534 = tpu.memref_slice %arg9[%dma_wait3A_530, %dma_wait3A_532, %dma_wait3A_533] : memref<2x128x128xf32, #tpu.memory_space<vmem>> -> memref<1x128x128xf32, #tpu.memory_space<vmem>>
      %dma_wait3A_535 = tpu.memref_squeeze %dma_wait3A_534 : memref<1x128x128xf32, #tpu.memory_space<vmem>> -> memref<128x128xf32, #tpu.memory_space<vmem>>
      %dma_wait3A_536 = arith.constant 0 : i32
      %dma_wait3A_537 = tpu.memref_slice %arg7[%dma_wait3A, %dma_wait3A_536] : memref<2x128xi32, #tpu.memory_space<vmem>> -> memref<1x128xi32, #tpu.memory_space<vmem>>
      %dma_wait3A_538 = tpu.memref_squeeze %dma_wait3A_537 : memref<1x128xi32, #tpu.memory_space<vmem>> -> memref<128xi32, #tpu.memory_space<vmem>>
      %dma_wait3A_539 = arith.constant 0 : i32
      %dma_wait3A_540 = arith.constant 0 : i32
      %dma_wait3A_541 = tpu.memref_slice %arg2[%dma_wait3A_539, %dma_wait3A_540] : memref<10240x128xf32, #tpu.memory_space<hbm>> -> memref<10240x128xf32, #tpu.memory_space<hbm>>
      %dma_wait3A_542 = tpu.memref_slice %arg11[%dma_wait3A_531] : memref<2x!tpu.dma_semaphore, #tpu.memory_space<semaphore_mem>> -> memref<1x!tpu.dma_semaphore, #tpu.memory_space<semaphore_mem>>
      %dma_wait3A_543 = tpu.memref_squeeze %dma_wait3A_542 : memref<1x!tpu.dma_semaphore, #tpu.memory_space<semaphore_mem>> -> memref<!tpu.dma_semaphore, #tpu.memory_space<semaphore_mem>>
      tpu.wait_indirect_dma semaphore(%dma_wait3A_543 : memref<!tpu.dma_semaphore, #tpu.memory_space<semaphore_mem>>) src(%dma_wait3A_541 : memref<10240x128xf32, #tpu.memory_space<hbm>>) dst(%dma_wait3A_535 : memref<128x128xf32, #tpu.memory_space<vmem>>)
      %dma_start3A_544 = arith.constant 0 : i32
      %dma_start3A_545 = arith.constant 0 : i32
      %dma_start3A_546 = arith.constant 0 : i32
      %dma_start3A_547 = arith.constant 0 : i32
      %dma_start3A_548 = arith.constant 0 : i32
      %dma_start3A_549 = tpu.memref_slice %arg9[%dma_start3A_544, %dma_start3A_547, %dma_start3A_548] : memref<2x128x128xf32, #tpu.memory_space<vmem>> -> memref<1x128x128xf32, #tpu.memory_space<vmem>>
      %dma_start3A_550 = tpu.memref_squeeze %dma_start3A_549 : memref<1x128x128xf32, #tpu.memory_space<vmem>> -> memref<128x128xf32, #tpu.memory_space<vmem>>
      %dma_start3A_551 = arith.constant 0 : i32
      %dma_start3A_552 = tpu.memref_slice %arg8[%dma_start3A_545, %dma_start3A_551] : memref<2x128xi32, #tpu.memory_space<vmem>> -> memref<1x128xi32, #tpu.memory_space<vmem>>
      %dma_start3A_553 = tpu.memref_squeeze %dma_start3A_552 : memref<1x128xi32, #tpu.memory_space<vmem>> -> memref<128xi32, #tpu.memory_space<vmem>>
      %dma_start3A_554 = arith.constant 0 : i32
      %dma_start3A_555 = arith.constant 0 : i32
      %dma_start3A_556 = tpu.memref_slice %arg10[%dma_start3A_554, %dma_start3A_555] : memref<5248x128xf32, #tpu.memory_space<vmem_shared>> -> memref<5248x128xf32, #tpu.memory_space<vmem_shared>>
      %dma_start3A_557 = tpu.memref_slice %arg12[%dma_start3A_546] : memref<2x!tpu.dma_semaphore, #tpu.memory_space<semaphore_mem>> -> memref<1x!tpu.dma_semaphore, #tpu.memory_space<semaphore_mem>>
      %dma_start3A_558 = tpu.memref_squeeze %dma_start3A_557 : memref<1x!tpu.dma_semaphore, #tpu.memory_space<semaphore_mem>> -> memref<!tpu.dma_semaphore, #tpu.memory_space<semaphore_mem>>
      tpu.enqueue_indirect_dma source(%dma_start3A_550 : memref<128x128xf32, #tpu.memory_space<vmem>>) target(%dma_start3A_556 : memref<5248x128xf32, #tpu.memory_space<vmem_shared>>) offsets(%dma_start3A_553 : memref<128xi32, #tpu.memory_space<vmem>>) semaphore(%dma_start3A_558 : memref<!tpu.dma_semaphore, #tpu.memory_space<semaphore_mem>>) {add = true}
      %dma_wait3A_559 = arith.constant 1 : i32
      %dma_wait3A_560 = arith.constant 1 : i32
      %dma_wait3A_561 = arith.constant 1 : i32
      %dma_wait3A_562 = arith.constant 0 : i32
      %dma_wait3A_563 = arith.constant 0 : i32
      %dma_wait3A_564 = tpu.memref_slice %arg9[%dma_wait3A_560, %dma_wait3A_562, %dma_wait3A_563] : memref<2x128x128xf32, #tpu.memory_space<vmem>> -> memref<1x128x128xf32, #tpu.memory_space<vmem>>
      %dma_wait3A_565 = tpu.memref_squeeze %dma_wait3A_564 : memref<1x128x128xf32, #tpu.memory_space<vmem>> -> memref<128x128xf32, #tpu.memory_space<vmem>>
      %dma_wait3A_566 = arith.constant 0 : i32
      %dma_wait3A_567 = tpu.memref_slice %arg7[%dma_wait3A_559, %dma_wait3A_566] : memref<2x128xi32, #tpu.memory_space<vmem>> -> memref<1x128xi32, #tpu.memory_space<vmem>>
      %dma_wait3A_568 = tpu.memref_squeeze %dma_wait3A_567 : memref<1x128xi32, #tpu.memory_space<vmem>> -> memref<128xi32, #tpu.memory_space<vmem>>
      %dma_wait3A_569 = arith.constant 0 : i32
      %dma_wait3A_570 = arith.constant 0 : i32
      %dma_wait3A_571 = tpu.memref_slice %arg2[%dma_wait3A_569, %dma_wait3A_570] : memref<10240x128xf32, #tpu.memory_space<hbm>> -> memref<10240x128xf32, #tpu.memory_space<hbm>>
      %dma_wait3A_572 = tpu.memref_slice %arg11[%dma_wait3A_561] : memref<2x!tpu.dma_semaphore, #tpu.memory_space<semaphore_mem>> -> memref<1x!tpu.dma_semaphore, #tpu.memory_space<semaphore_mem>>
      %dma_wait3A_573 = tpu.memref_squeeze %dma_wait3A_572 : memref<1x!tpu.dma_semaphore, #tpu.memory_space<semaphore_mem>> -> memref<!tpu.dma_semaphore, #tpu.memory_space<semaphore_mem>>
      tpu.wait_indirect_dma semaphore(%dma_wait3A_573 : memref<!tpu.dma_semaphore, #tpu.memory_space<semaphore_mem>>) src(%dma_wait3A_571 : memref<10240x128xf32, #tpu.memory_space<hbm>>) dst(%dma_wait3A_565 : memref<128x128xf32, #tpu.memory_space<vmem>>)
      %dma_start3A_574 = arith.constant 1 : i32
      %dma_start3A_575 = arith.constant 1 : i32
      %dma_start3A_576 = arith.constant 1 : i32
      %dma_start3A_577 = arith.constant 0 : i32
      %dma_start3A_578 = arith.constant 0 : i32
      %dma_start3A_579 = tpu.memref_slice %arg9[%dma_start3A_574, %dma_start3A_577, %dma_start3A_578] : memref<2x128x128xf32, #tpu.memory_space<vmem>> -> memref<1x128x128xf32, #tpu.memory_space<vmem>>
      %dma_start3A_580 = tpu.memref_squeeze %dma_start3A_579 : memref<1x128x128xf32, #tpu.memory_space<vmem>> -> memref<128x128xf32, #tpu.memory_space<vmem>>
      %dma_start3A_581 = arith.constant 0 : i32
      %dma_start3A_582 = tpu.memref_slice %arg8[%dma_start3A_575, %dma_start3A_581] : memref<2x128xi32, #tpu.memory_space<vmem>> -> memref<1x128xi32, #tpu.memory_space<vmem>>
      %dma_start3A_583 = tpu.memref_squeeze %dma_start3A_582 : memref<1x128xi32, #tpu.memory_space<vmem>> -> memref<128xi32, #tpu.memory_space<vmem>>
      %dma_start3A_584 = arith.constant 0 : i32
      %dma_start3A_585 = arith.constant 0 : i32
      %dma_start3A_586 = tpu.memref_slice %arg10[%dma_start3A_584, %dma_start3A_585] : memref<5248x128xf32, #tpu.memory_space<vmem_shared>> -> memref<5248x128xf32, #tpu.memory_space<vmem_shared>>
      %dma_start3A_587 = tpu.memref_slice %arg12[%dma_start3A_576] : memref<2x!tpu.dma_semaphore, #tpu.memory_space<semaphore_mem>> -> memref<1x!tpu.dma_semaphore, #tpu.memory_space<semaphore_mem>>
      %dma_start3A_588 = tpu.memref_squeeze %dma_start3A_587 : memref<1x!tpu.dma_semaphore, #tpu.memory_space<semaphore_mem>> -> memref<!tpu.dma_semaphore, #tpu.memory_space<semaphore_mem>>
      tpu.enqueue_indirect_dma source(%dma_start3A_580 : memref<128x128xf32, #tpu.memory_space<vmem>>) target(%dma_start3A_586 : memref<5248x128xf32, #tpu.memory_space<vmem_shared>>) offsets(%dma_start3A_583 : memref<128xi32, #tpu.memory_space<vmem>>) semaphore(%dma_start3A_588 : memref<!tpu.dma_semaphore, #tpu.memory_space<semaphore_mem>>) {add = true}
      %dma_wait3A_589 = arith.constant 0 : i32
      %dma_wait3A_590 = arith.constant 0 : i32
      %dma_wait3A_591 = arith.constant 0 : i32
      %dma_wait3A_592 = arith.constant 0 : i32
      %dma_wait3A_593 = arith.constant 0 : i32
      %dma_wait3A_594 = tpu.memref_slice %arg9[%dma_wait3A_589, %dma_wait3A_592, %dma_wait3A_593] : memref<2x128x128xf32, #tpu.memory_space<vmem>> -> memref<1x128x128xf32, #tpu.memory_space<vmem>>
      %dma_wait3A_595 = tpu.memref_squeeze %dma_wait3A_594 : memref<1x128x128xf32, #tpu.memory_space<vmem>> -> memref<128x128xf32, #tpu.memory_space<vmem>>
      %dma_wait3A_596 = arith.constant 0 : i32
      %dma_wait3A_597 = tpu.memref_slice %arg8[%dma_wait3A_590, %dma_wait3A_596] : memref<2x128xi32, #tpu.memory_space<vmem>> -> memref<1x128xi32, #tpu.memory_space<vmem>>
      %dma_wait3A_598 = tpu.memref_squeeze %dma_wait3A_597 : memref<1x128xi32, #tpu.memory_space<vmem>> -> memref<128xi32, #tpu.memory_space<vmem>>
      %dma_wait3A_599 = arith.constant 0 : i32
      %dma_wait3A_600 = arith.constant 0 : i32
      %dma_wait3A_601 = tpu.memref_slice %arg10[%dma_wait3A_599, %dma_wait3A_600] : memref<5248x128xf32, #tpu.memory_space<vmem_shared>> -> memref<5248x128xf32, #tpu.memory_space<vmem_shared>>
      %dma_wait3A_602 = tpu.memref_slice %arg12[%dma_wait3A_591] : memref<2x!tpu.dma_semaphore, #tpu.memory_space<semaphore_mem>> -> memref<1x!tpu.dma_semaphore, #tpu.memory_space<semaphore_mem>>
      %dma_wait3A_603 = tpu.memref_squeeze %dma_wait3A_602 : memref<1x!tpu.dma_semaphore, #tpu.memory_space<semaphore_mem>> -> memref<!tpu.dma_semaphore, #tpu.memory_space<semaphore_mem>>
      tpu.wait_indirect_dma semaphore(%dma_wait3A_603 : memref<!tpu.dma_semaphore, #tpu.memory_space<semaphore_mem>>) src(%dma_wait3A_595 : memref<128x128xf32, #tpu.memory_space<vmem>>) dst(%dma_wait3A_601 : memref<5248x128xf32, #tpu.memory_space<vmem_shared>>)
      %dma_wait3A_604 = arith.constant 1 : i32
      %dma_wait3A_605 = arith.constant 1 : i32
      %dma_wait3A_606 = arith.constant 1 : i32
      %dma_wait3A_607 = arith.constant 0 : i32
      %dma_wait3A_608 = arith.constant 0 : i32
      %dma_wait3A_609 = tpu.memref_slice %arg9[%dma_wait3A_604, %dma_wait3A_607, %dma_wait3A_608] : memref<2x128x128xf32, #tpu.memory_space<vmem>> -> memref<1x128x128xf32, #tpu.memory_space<vmem>>
      %dma_wait3A_610 = tpu.memref_squeeze %dma_wait3A_609 : memref<1x128x128xf32, #tpu.memory_space<vmem>> -> memref<128x128xf32, #tpu.memory_space<vmem>>
      %dma_wait3A_611 = arith.constant 0 : i32
      %dma_wait3A_612 = tpu.memref_slice %arg8[%dma_wait3A_605, %dma_wait3A_611] : memref<2x128xi32, #tpu.memory_space<vmem>> -> memref<1x128xi32, #tpu.memory_space<vmem>>
      %dma_wait3A_613 = tpu.memref_squeeze %dma_wait3A_612 : memref<1x128xi32, #tpu.memory_space<vmem>> -> memref<128xi32, #tpu.memory_space<vmem>>
      %dma_wait3A_614 = arith.constant 0 : i32
      %dma_wait3A_615 = arith.constant 0 : i32
      %dma_wait3A_616 = tpu.memref_slice %arg10[%dma_wait3A_614, %dma_wait3A_615] : memref<5248x128xf32, #tpu.memory_space<vmem_shared>> -> memref<5248x128xf32, #tpu.memory_space<vmem_shared>>
      %dma_wait3A_617 = tpu.memref_slice %arg12[%dma_wait3A_606] : memref<2x!tpu.dma_semaphore, #tpu.memory_space<semaphore_mem>> -> memref<1x!tpu.dma_semaphore, #tpu.memory_space<semaphore_mem>>
      %dma_wait3A_618 = tpu.memref_squeeze %dma_wait3A_617 : memref<1x!tpu.dma_semaphore, #tpu.memory_space<semaphore_mem>> -> memref<!tpu.dma_semaphore, #tpu.memory_space<semaphore_mem>>
      tpu.wait_indirect_dma semaphore(%dma_wait3A_618 : memref<!tpu.dma_semaphore, #tpu.memory_space<semaphore_mem>>) src(%dma_wait3A_610 : memref<128x128xf32, #tpu.memory_space<vmem>>) dst(%dma_wait3A_616 : memref<5248x128xf32, #tpu.memory_space<vmem_shared>>)
    }
    %while3A_170 = arith.constant 1 : i32
    scf.for %while3A_174 = %while3A_168 to %while3A_164 step %while3A_170  : i32 {
      %mul3A_175 = arith.constant 2 : i32
      %mul3A_176 = arith.muli %while3A_174, %mul3A_175 : i32
      %add3A_177 = arith.constant 0 : i32
      %add3A_178 = arith.addi %mul3A_176, %add3A_177 : i32
      %mul3A_179 = arith.constant 128 : i32
      %mul3A_180 = arith.muli %add3A_178, %mul3A_179 : i32
      %add3A_181 = arith.constant 0 : i32
      %add3A_182 = arith.addi %mul3A_180, %add3A_181 : i32
      %get3A = arith.index_cast %add3A_182 : i32 to index
      %get3A_183 = tpu.vector_load %arg5[%get3A] {strides = array<i32>} : memref<20752xi32, #tpu.memory_space<vmem>>, vector<16xi32>,
      %swap3A = arith.constant 0 : i32
      %swap3A_184 = arith.index_cast %swap3A : i32 to index
      %swap3A_185 = arith.constant 0 : index
      %swap3A_186 = tpu.vector_load %arg7[%swap3A_184, %swap3A_185] {strides = array<i32>} : memref<2x128xi32, #tpu.memory_space<vmem>>, vector<16xi32>,
      tpu.vector_store %arg7[%swap3A_184, %swap3A_185], %get3A_183 {strides = array<i32>} : memref<2x128xi32, #tpu.memory_space<vmem>>, vector<16xi32>,
      %mul3A_187 = arith.constant 128 : i32
      %mul3A_188 = arith.muli %add3A_178, %mul3A_187 : i32
      %add3A_189 = arith.constant 0 : i32
      %add3A_190 = arith.addi %mul3A_188, %add3A_189 : i32
      %get3A_191 = arith.index_cast %add3A_190 : i32 to index
      %get3A_192 = tpu.vector_load %arg6[%get3A_191] {strides = array<i32>} : memref<20752xi32, #tpu.memory_space<vmem>>, vector<16xi32>,
      %swap3A_193 = arith.constant 0 : i32
      %swap3A_194 = arith.index_cast %swap3A_193 : i32 to index
      %swap3A_195 = arith.constant 0 : index
      %swap3A_196 = tpu.vector_load %arg8[%swap3A_194, %swap3A_195] {strides = array<i32>} : memref<2x128xi32, #tpu.memory_space<vmem>>, vector<16xi32>,
      tpu.vector_store %arg8[%swap3A_194, %swap3A_195], %get3A_192 {strides = array<i32>} : memref<2x128xi32, #tpu.memory_space<vmem>>, vector<16xi32>,
      %mul3A_197 = arith.constant 128 : i32
      %mul3A_198 = arith.muli %add3A_178, %mul3A_197 : i32
      %add3A_199 = arith.constant 16 : i32
      %add3A_200 = arith.addi %mul3A_198, %add3A_199 : i32
      %get3A_201 = arith.index_cast %add3A_200 : i32 to index
      %get3A_202 = tpu.vector_load %arg5[%get3A_201] {strides = array<i32>} : memref<20752xi32, #tpu.memory_space<vmem>>, vector<16xi32>,
      %swap3A_203 = arith.constant 0 : i32
      %swap3A_204 = arith.index_cast %swap3A_203 : i32 to index
      %swap3A_205 = arith.constant 16 : index
      %swap3A_206 = tpu.vector_load %arg7[%swap3A_204, %swap3A_205] {strides = array<i32>} : memref<2x128xi32, #tpu.memory_space<vmem>>, vector<16xi32>,
      tpu.vector_store %arg7[%swap3A_204, %swap3A_205], %get3A_202 {strides = array<i32>} : memref<2x128xi32, #tpu.memory_space<vmem>>, vector<16xi32>,
      %mul3A_207 = arith.constant 128 : i32
      %mul3A_208 = arith.muli %add3A_178, %mul3A_207 : i32
      %add3A_209 = arith.constant 16 : i32
      %add3A_210 = arith.addi %mul3A_208, %add3A_209 : i32
      %get3A_211 = arith.index_cast %add3A_210 : i32 to index
      %get3A_212 = tpu.vector_load %arg6[%get3A_211] {strides = array<i32>} : memref<20752xi32, #tpu.memory_space<vmem>>, vector<16xi32>,
      %swap3A_213 = arith.constant 0 : i32
      %swap3A_214 = arith.index_cast %swap3A_213 : i32 to index
      %swap3A_215 = arith.constant 16 : index
      %swap3A_216 = tpu.vector_load %arg8[%swap3A_214, %swap3A_215] {strides = array<i32>} : memref<2x128xi32, #tpu.memory_space<vmem>>, vector<16xi32>,
      tpu.vector_store %arg8[%swap3A_214, %swap3A_215], %get3A_212 {strides = array<i32>} : memref<2x128xi32, #tpu.memory_space<vmem>>, vector<16xi32>,
      %mul3A_217 = arith.constant 128 : i32
      %mul3A_218 = arith.muli %add3A_178, %mul3A_217 : i32
      %add3A_219 = arith.constant 32 : i32
      %add3A_220 = arith.addi %mul3A_218, %add3A_219 : i32
      %get3A_221 = arith.index_cast %add3A_220 : i32 to index
      %get3A_222 = tpu.vector_load %arg5[%get3A_221] {strides = array<i32>} : memref<20752xi32, #tpu.memory_space<vmem>>, vector<16xi32>,
      %swap3A_223 = arith.constant 0 : i32
      %swap3A_224 = arith.index_cast %swap3A_223 : i32 to index
      %swap3A_225 = arith.constant 32 : index
      %swap3A_226 = tpu.vector_load %arg7[%swap3A_224, %swap3A_225] {strides = array<i32>} : memref<2x128xi32, #tpu.memory_space<vmem>>, vector<16xi32>,
      tpu.vector_store %arg7[%swap3A_224, %swap3A_225], %get3A_222 {strides = array<i32>} : memref<2x128xi32, #tpu.memory_space<vmem>>, vector<16xi32>,
      %mul3A_227 = arith.constant 128 : i32
      %mul3A_228 = arith.muli %add3A_178, %mul3A_227 : i32
      %add3A_229 = arith.constant 32 : i32
      %add3A_230 = arith.addi %mul3A_228, %add3A_229 : i32
      %get3A_231 = arith.index_cast %add3A_230 : i32 to index
      %get3A_232 = tpu.vector_load %arg6[%get3A_231] {strides = array<i32>} : memref<20752xi32, #tpu.memory_space<vmem>>, vector<16xi32>,
      %swap3A_233 = arith.constant 0 : i32
      %swap3A_234 = arith.index_cast %swap3A_233 : i32 to index
      %swap3A_235 = arith.constant 32 : index
      %swap3A_236 = tpu.vector_load %arg8[%swap3A_234, %swap3A_235] {strides = array<i32>} : memref<2x128xi32, #tpu.memory_space<vmem>>, vector<16xi32>,
      tpu.vector_store %arg8[%swap3A_234, %swap3A_235], %get3A_232 {strides = array<i32>} : memref<2x128xi32, #tpu.memory_space<vmem>>, vector<16xi32>,
      %mul3A_237 = arith.constant 128 : i32
      %mul3A_238 = arith.muli %add3A_178, %mul3A_237 : i32
      %add3A_239 = arith.constant 48 : i32
      %add3A_240 = arith.addi %mul3A_238, %add3A_239 : i32
      %get3A_241 = arith.index_cast %add3A_240 : i32 to index
      %get3A_242 = tpu.vector_load %arg5[%get3A_241] {strides = array<i32>} : memref<20752xi32, #tpu.memory_space<vmem>>, vector<16xi32>,
      %swap3A_243 = arith.constant 0 : i32
      %swap3A_244 = arith.index_cast %swap3A_243 : i32 to index
      %swap3A_245 = arith.constant 48 : index
      %swap3A_246 = tpu.vector_load %arg7[%swap3A_244, %swap3A_245] {strides = array<i32>} : memref<2x128xi32, #tpu.memory_space<vmem>>, vector<16xi32>,
      tpu.vector_store %arg7[%swap3A_244, %swap3A_245], %get3A_242 {strides = array<i32>} : memref<2x128xi32, #tpu.memory_space<vmem>>, vector<16xi32>,
      %mul3A_247 = arith.constant 128 : i32
      %mul3A_248 = arith.muli %add3A_178, %mul3A_247 : i32
      %add3A_249 = arith.constant 48 : i32
      %add3A_250 = arith.addi %mul3A_248, %add3A_249 : i32
      %get3A_251 = arith.index_cast %add3A_250 : i32 to index
      %get3A_252 = tpu.vector_load %arg6[%get3A_251] {strides = array<i32>} : memref<20752xi32, #tpu.memory_space<vmem>>, vector<16xi32>,
      %swap3A_253 = arith.constant 0 : i32
      %swap3A_254 = arith.index_cast %swap3A_253 : i32 to index
      %swap3A_255 = arith.constant 48 : index
      %swap3A_256 = tpu.vector_load %arg8[%swap3A_254, %swap3A_255] {strides = array<i32>} : memref<2x128xi32, #tpu.memory_space<vmem>>, vector<16xi32>,
      tpu.vector_store %arg8[%swap3A_254, %swap3A_255], %get3A_252 {strides = array<i32>} : memref<2x128xi32, #tpu.memory_space<vmem>>, vector<16xi32>,
      %mul3A_257 = arith.constant 128 : i32
      %mul3A_258 = arith.muli %add3A_178, %mul3A_257 : i32
      %add3A_259 = arith.constant 64 : i32
      %add3A_260 = arith.addi %mul3A_258, %add3A_259 : i32
      %get3A_261 = arith.index_cast %add3A_260 : i32 to index
      %get3A_262 = tpu.vector_load %arg5[%get3A_261] {strides = array<i32>} : memref<20752xi32, #tpu.memory_space<vmem>>, vector<16xi32>,
      %swap3A_263 = arith.constant 0 : i32
      %swap3A_264 = arith.index_cast %swap3A_263 : i32 to index
      %swap3A_265 = arith.constant 64 : index
      %swap3A_266 = tpu.vector_load %arg7[%swap3A_264, %swap3A_265] {strides = array<i32>} : memref<2x128xi32, #tpu.memory_space<vmem>>, vector<16xi32>,
      tpu.vector_store %arg7[%swap3A_264, %swap3A_265], %get3A_262 {strides = array<i32>} : memref<2x128xi32, #tpu.memory_space<vmem>>, vector<16xi32>,
      %mul3A_267 = arith.constant 128 : i32
      %mul3A_268 = arith.muli %add3A_178, %mul3A_267 : i32
      %add3A_269 = arith.constant 64 : i32
      %add3A_270 = arith.addi %mul3A_268, %add3A_269 : i32
      %get3A_271 = arith.index_cast %add3A_270 : i32 to index
      %get3A_272 = tpu.vector_load %arg6[%get3A_271] {strides = array<i32>} : memref<20752xi32, #tpu.memory_space<vmem>>, vector<16xi32>,
      %swap3A_273 = arith.constant 0 : i32
      %swap3A_274 = arith.index_cast %swap3A_273 : i32 to index
      %swap3A_275 = arith.constant 64 : index
      %swap3A_276 = tpu.vector_load %arg8[%swap3A_274, %swap3A_275] {strides = array<i32>} : memref<2x128xi32, #tpu.memory_space<vmem>>, vector<16xi32>,
      tpu.vector_store %arg8[%swap3A_274, %swap3A_275], %get3A_272 {strides = array<i32>} : memref<2x128xi32, #tpu.memory_space<vmem>>, vector<16xi32>,
      %mul3A_277 = arith.constant 128 : i32
      %mul3A_278 = arith.muli %add3A_178, %mul3A_277 : i32
      %add3A_279 = arith.constant 80 : i32
      %add3A_280 = arith.addi %mul3A_278, %add3A_279 : i32
      %get3A_281 = arith.index_cast %add3A_280 : i32 to index
      %get3A_282 = tpu.vector_load %arg5[%get3A_281] {strides = array<i32>} : memref<20752xi32, #tpu.memory_space<vmem>>, vector<16xi32>,
      %swap3A_283 = arith.constant 0 : i32
      %swap3A_284 = arith.index_cast %swap3A_283 : i32 to index
      %swap3A_285 = arith.constant 80 : index
      %swap3A_286 = tpu.vector_load %arg7[%swap3A_284, %swap3A_285] {strides = array<i32>} : memref<2x128xi32, #tpu.memory_space<vmem>>, vector<16xi32>,
      tpu.vector_store %arg7[%swap3A_284, %swap3A_285], %get3A_282 {strides = array<i32>} : memref<2x128xi32, #tpu.memory_space<vmem>>, vector<16xi32>,
      %mul3A_287 = arith.constant 128 : i32
      %mul3A_288 = arith.muli %add3A_178, %mul3A_287 : i32
      %add3A_289 = arith.constant 80 : i32
      %add3A_290 = arith.addi %mul3A_288, %add3A_289 : i32
      %get3A_291 = arith.index_cast %add3A_290 : i32 to index
      %get3A_292 = tpu.vector_load %arg6[%get3A_291] {strides = array<i32>} : memref<20752xi32, #tpu.memory_space<vmem>>, vector<16xi32>,
      %swap3A_293 = arith.constant 0 : i32
      %swap3A_294 = arith.index_cast %swap3A_293 : i32 to index
      %swap3A_295 = arith.constant 80 : index
      %swap3A_296 = tpu.vector_load %arg8[%swap3A_294, %swap3A_295] {strides = array<i32>} : memref<2x128xi32, #tpu.memory_space<vmem>>, vector<16xi32>,
      tpu.vector_store %arg8[%swap3A_294, %swap3A_295], %get3A_292 {strides = array<i32>} : memref<2x128xi32, #tpu.memory_space<vmem>>, vector<16xi32>,
      %mul3A_297 = arith.constant 128 : i32
      %mul3A_298 = arith.muli %add3A_178, %mul3A_297 : i32
      %add3A_299 = arith.constant 96 : i32
      %add3A_300 = arith.addi %mul3A_298, %add3A_299 : i32
      %get3A_301 = arith.index_cast %add3A_300 : i32 to index
      %get3A_302 = tpu.vector_load %arg5[%get3A_301] {strides = array<i32>} : memref<20752xi32, #tpu.memory_space<vmem>>, vector<16xi32>,
      %swap3A_303 = arith.constant 0 : i32
      %swap3A_304 = arith.index_cast %swap3A_303 : i32 to index
      %swap3A_305 = arith.constant 96 : index
      %swap3A_306 = tpu.vector_load %arg7[%swap3A_304, %swap3A_305] {strides = array<i32>} : memref<2x128xi32, #tpu.memory_space<vmem>>, vector<16xi32>,
      tpu.vector_store %arg7[%swap3A_304, %swap3A_305], %get3A_302 {strides = array<i32>} : memref<2x128xi32, #tpu.memory_space<vmem>>, vector<16xi32>,
      %mul3A_307 = arith.constant 128 : i32
      %mul3A_308 = arith.muli %add3A_178, %mul3A_307 : i32
      %add3A_309 = arith.constant 96 : i32
      %add3A_310 = arith.addi %mul3A_308, %add3A_309 : i32
      %get3A_311 = arith.index_cast %add3A_310 : i32 to index
      %get3A_312 = tpu.vector_load %arg6[%get3A_311] {strides = array<i32>} : memref<20752xi32, #tpu.memory_space<vmem>>, vector<16xi32>,
      %swap3A_313 = arith.constant 0 : i32
      %swap3A_314 = arith.index_cast %swap3A_313 : i32 to index
      %swap3A_315 = arith.constant 96 : index
      %swap3A_316 = tpu.vector_load %arg8[%swap3A_314, %swap3A_315] {strides = array<i32>} : memref<2x128xi32, #tpu.memory_space<vmem>>, vector<16xi32>,
      tpu.vector_store %arg8[%swap3A_314, %swap3A_315], %get3A_312 {strides = array<i32>} : memref<2x128xi32, #tpu.memory_space<vmem>>, vector<16xi32>,
      %mul3A_317 = arith.constant 128 : i32
      %mul3A_318 = arith.muli %add3A_178, %mul3A_317 : i32
      %add3A_319 = arith.constant 112 : i32
      %add3A_320 = arith.addi %mul3A_318, %add3A_319 : i32
      %get3A_321 = arith.index_cast %add3A_320 : i32 to index
      %get3A_322 = tpu.vector_load %arg5[%get3A_321] {strides = array<i32>} : memref<20752xi32, #tpu.memory_space<vmem>>, vector<16xi32>,
      %swap3A_323 = arith.constant 0 : i32
      %swap3A_324 = arith.index_cast %swap3A_323 : i32 to index
      %swap3A_325 = arith.constant 112 : index
      %swap3A_326 = tpu.vector_load %arg7[%swap3A_324, %swap3A_325] {strides = array<i32>} : memref<2x128xi32, #tpu.memory_space<vmem>>, vector<16xi32>,
      tpu.vector_store %arg7[%swap3A_324, %swap3A_325], %get3A_322 {strides = array<i32>} : memref<2x128xi32, #tpu.memory_space<vmem>>, vector<16xi32>,
      %mul3A_327 = arith.constant 128 : i32
      %mul3A_328 = arith.muli %add3A_178, %mul3A_327 : i32
      %add3A_329 = arith.constant 112 : i32
      %add3A_330 = arith.addi %mul3A_328, %add3A_329 : i32
      %get3A_331 = arith.index_cast %add3A_330 : i32 to index
      %get3A_332 = tpu.vector_load %arg6[%get3A_331] {strides = array<i32>} : memref<20752xi32, #tpu.memory_space<vmem>>, vector<16xi32>,
      %swap3A_333 = arith.constant 0 : i32
      %swap3A_334 = arith.index_cast %swap3A_333 : i32 to index
      %swap3A_335 = arith.constant 112 : index
      %swap3A_336 = tpu.vector_load %arg8[%swap3A_334, %swap3A_335] {strides = array<i32>} : memref<2x128xi32, #tpu.memory_space<vmem>>, vector<16xi32>,
      tpu.vector_store %arg8[%swap3A_334, %swap3A_335], %get3A_332 {strides = array<i32>} : memref<2x128xi32, #tpu.memory_space<vmem>>, vector<16xi32>,
      %mul3A_337 = arith.constant 2 : i32
      %mul3A_338 = arith.muli %while3A_174, %mul3A_337 : i32
      %add3A_339 = arith.constant 1 : i32
      %add3A_340 = arith.addi %mul3A_338, %add3A_339 : i32
      %mul3A_341 = arith.constant 128 : i32
      %mul3A_342 = arith.muli %add3A_340, %mul3A_341 : i32
      %add3A_343 = arith.constant 0 : i32
      %add3A_344 = arith.addi %mul3A_342, %add3A_343 : i32
      %get3A_345 = arith.index_cast %add3A_344 : i32 to index
      %get3A_346 = tpu.vector_load %arg5[%get3A_345] {strides = array<i32>} : memref<20752xi32, #tpu.memory_space<vmem>>, vector<16xi32>,
      %swap3A_347 = arith.constant 1 : i32
      %swap3A_348 = arith.index_cast %swap3A_347 : i32 to index
      %swap3A_349 = arith.constant 0 : index
      %swap3A_350 = tpu.vector_load %arg7[%swap3A_348, %swap3A_349] {strides = array<i32>} : memref<2x128xi32, #tpu.memory_space<vmem>>, vector<16xi32>,
      tpu.vector_store %arg7[%swap3A_348, %swap3A_349], %get3A_346 {strides = array<i32>} : memref<2x128xi32, #tpu.memory_space<vmem>>, vector<16xi32>,
      %mul3A_351 = arith.constant 128 : i32
      %mul3A_352 = arith.muli %add3A_340, %mul3A_351 : i32
      %add3A_353 = arith.constant 0 : i32
      %add3A_354 = arith.addi %mul3A_352, %add3A_353 : i32
      %get3A_355 = arith.index_cast %add3A_354 : i32 to index
      %get3A_356 = tpu.vector_load %arg6[%get3A_355] {strides = array<i32>} : memref<20752xi32, #tpu.memory_space<vmem>>, vector<16xi32>,
      %swap3A_357 = arith.constant 1 : i32
      %swap3A_358 = arith.index_cast %swap3A_357 : i32 to index
      %swap3A_359 = arith.constant 0 : index
      %swap3A_360 = tpu.vector_load %arg8[%swap3A_358, %swap3A_359] {strides = array<i32>} : memref<2x128xi32, #tpu.memory_space<vmem>>, vector<16xi32>,
      tpu.vector_store %arg8[%swap3A_358, %swap3A_359], %get3A_356 {strides = array<i32>} : memref<2x128xi32, #tpu.memory_space<vmem>>, vector<16xi32>,
      %mul3A_361 = arith.constant 128 : i32
      %mul3A_362 = arith.muli %add3A_340, %mul3A_361 : i32
      %add3A_363 = arith.constant 16 : i32
      %add3A_364 = arith.addi %mul3A_362, %add3A_363 : i32
      %get3A_365 = arith.index_cast %add3A_364 : i32 to index
      %get3A_366 = tpu.vector_load %arg5[%get3A_365] {strides = array<i32>} : memref<20752xi32, #tpu.memory_space<vmem>>, vector<16xi32>,
      %swap3A_367 = arith.constant 1 : i32
      %swap3A_368 = arith.index_cast %swap3A_367 : i32 to index
      %swap3A_369 = arith.constant 16 : index
      %swap3A_370 = tpu.vector_load %arg7[%swap3A_368, %swap3A_369] {strides = array<i32>} : memref<2x128xi32, #tpu.memory_space<vmem>>, vector<16xi32>,
      tpu.vector_store %arg7[%swap3A_368, %swap3A_369], %get3A_366 {strides = array<i32>} : memref<2x128xi32, #tpu.memory_space<vmem>>, vector<16xi32>,
      %mul3A_371 = arith.constant 128 : i32
      %mul3A_372 = arith.muli %add3A_340, %mul3A_371 : i32
      %add3A_373 = arith.constant 16 : i32
      %add3A_374 = arith.addi %mul3A_372, %add3A_373 : i32
      %get3A_375 = arith.index_cast %add3A_374 : i32 to index
      %get3A_376 = tpu.vector_load %arg6[%get3A_375] {strides = array<i32>} : memref<20752xi32, #tpu.memory_space<vmem>>, vector<16xi32>,
      %swap3A_377 = arith.constant 1 : i32
      %swap3A_378 = arith.index_cast %swap3A_377 : i32 to index
      %swap3A_379 = arith.constant 16 : index
      %swap3A_380 = tpu.vector_load %arg8[%swap3A_378, %swap3A_379] {strides = array<i32>} : memref<2x128xi32, #tpu.memory_space<vmem>>, vector<16xi32>,
      tpu.vector_store %arg8[%swap3A_378, %swap3A_379], %get3A_376 {strides = array<i32>} : memref<2x128xi32, #tpu.memory_space<vmem>>, vector<16xi32>,
      %mul3A_381 = arith.constant 128 : i32
      %mul3A_382 = arith.muli %add3A_340, %mul3A_381 : i32
      %add3A_383 = arith.constant 32 : i32
      %add3A_384 = arith.addi %mul3A_382, %add3A_383 : i32
      %get3A_385 = arith.index_cast %add3A_384 : i32 to index
      %get3A_386 = tpu.vector_load %arg5[%get3A_385] {strides = array<i32>} : memref<20752xi32, #tpu.memory_space<vmem>>, vector<16xi32>,
      %swap3A_387 = arith.constant 1 : i32
      %swap3A_388 = arith.index_cast %swap3A_387 : i32 to index
      %swap3A_389 = arith.constant 32 : index
      %swap3A_390 = tpu.vector_load %arg7[%swap3A_388, %swap3A_389] {strides = array<i32>} : memref<2x128xi32, #tpu.memory_space<vmem>>, vector<16xi32>,
      tpu.vector_store %arg7[%swap3A_388, %swap3A_389], %get3A_386 {strides = array<i32>} : memref<2x128xi32, #tpu.memory_space<vmem>>, vector<16xi32>,
      %mul3A_391 = arith.constant 128 : i32
      %mul3A_392 = arith.muli %add3A_340, %mul3A_391 : i32
      %add3A_393 = arith.constant 32 : i32
      %add3A_394 = arith.addi %mul3A_392, %add3A_393 : i32
      %get3A_395 = arith.index_cast %add3A_394 : i32 to index
      %get3A_396 = tpu.vector_load %arg6[%get3A_395] {strides = array<i32>} : memref<20752xi32, #tpu.memory_space<vmem>>, vector<16xi32>,
      %swap3A_397 = arith.constant 1 : i32
      %swap3A_398 = arith.index_cast %swap3A_397 : i32 to index
      %swap3A_399 = arith.constant 32 : index
      %swap3A_400 = tpu.vector_load %arg8[%swap3A_398, %swap3A_399] {strides = array<i32>} : memref<2x128xi32, #tpu.memory_space<vmem>>, vector<16xi32>,
      tpu.vector_store %arg8[%swap3A_398, %swap3A_399], %get3A_396 {strides = array<i32>} : memref<2x128xi32, #tpu.memory_space<vmem>>, vector<16xi32>,
      %mul3A_401 = arith.constant 128 : i32
      %mul3A_402 = arith.muli %add3A_340, %mul3A_401 : i32
      %add3A_403 = arith.constant 48 : i32
      %add3A_404 = arith.addi %mul3A_402, %add3A_403 : i32
      %get3A_405 = arith.index_cast %add3A_404 : i32 to index
      %get3A_406 = tpu.vector_load %arg5[%get3A_405] {strides = array<i32>} : memref<20752xi32, #tpu.memory_space<vmem>>, vector<16xi32>,
      %swap3A_407 = arith.constant 1 : i32
      %swap3A_408 = arith.index_cast %swap3A_407 : i32 to index
      %swap3A_409 = arith.constant 48 : index
      %swap3A_410 = tpu.vector_load %arg7[%swap3A_408, %swap3A_409] {strides = array<i32>} : memref<2x128xi32, #tpu.memory_space<vmem>>, vector<16xi32>,
      tpu.vector_store %arg7[%swap3A_408, %swap3A_409], %get3A_406 {strides = array<i32>} : memref<2x128xi32, #tpu.memory_space<vmem>>, vector<16xi32>,
      %mul3A_411 = arith.constant 128 : i32
      %mul3A_412 = arith.muli %add3A_340, %mul3A_411 : i32
      %add3A_413 = arith.constant 48 : i32
      %add3A_414 = arith.addi %mul3A_412, %add3A_413 : i32
      %get3A_415 = arith.index_cast %add3A_414 : i32 to index
      %get3A_416 = tpu.vector_load %arg6[%get3A_415] {strides = array<i32>} : memref<20752xi32, #tpu.memory_space<vmem>>, vector<16xi32>,
      %swap3A_417 = arith.constant 1 : i32
      %swap3A_418 = arith.index_cast %swap3A_417 : i32 to index
      %swap3A_419 = arith.constant 48 : index
      %swap3A_420 = tpu.vector_load %arg8[%swap3A_418, %swap3A_419] {strides = array<i32>} : memref<2x128xi32, #tpu.memory_space<vmem>>, vector<16xi32>,
      tpu.vector_store %arg8[%swap3A_418, %swap3A_419], %get3A_416 {strides = array<i32>} : memref<2x128xi32, #tpu.memory_space<vmem>>, vector<16xi32>,
      %mul3A_421 = arith.constant 128 : i32
      %mul3A_422 = arith.muli %add3A_340, %mul3A_421 : i32
      %add3A_423 = arith.constant 64 : i32
      %add3A_424 = arith.addi %mul3A_422, %add3A_423 : i32
      %get3A_425 = arith.index_cast %add3A_424 : i32 to index
      %get3A_426 = tpu.vector_load %arg5[%get3A_425] {strides = array<i32>} : memref<20752xi32, #tpu.memory_space<vmem>>, vector<16xi32>,
      %swap3A_427 = arith.constant 1 : i32
      %swap3A_428 = arith.index_cast %swap3A_427 : i32 to index
      %swap3A_429 = arith.constant 64 : index
      %swap3A_430 = tpu.vector_load %arg7[%swap3A_428, %swap3A_429] {strides = array<i32>} : memref<2x128xi32, #tpu.memory_space<vmem>>, vector<16xi32>,
      tpu.vector_store %arg7[%swap3A_428, %swap3A_429], %get3A_426 {strides = array<i32>} : memref<2x128xi32, #tpu.memory_space<vmem>>, vector<16xi32>,
      %mul3A_431 = arith.constant 128 : i32
      %mul3A_432 = arith.muli %add3A_340, %mul3A_431 : i32
      %add3A_433 = arith.constant 64 : i32
      %add3A_434 = arith.addi %mul3A_432, %add3A_433 : i32
      %get3A_435 = arith.index_cast %add3A_434 : i32 to index
      %get3A_436 = tpu.vector_load %arg6[%get3A_435] {strides = array<i32>} : memref<20752xi32, #tpu.memory_space<vmem>>, vector<16xi32>,
      %swap3A_437 = arith.constant 1 : i32
      %swap3A_438 = arith.index_cast %swap3A_437 : i32 to index
      %swap3A_439 = arith.constant 64 : index
      %swap3A_440 = tpu.vector_load %arg8[%swap3A_438, %swap3A_439] {strides = array<i32>} : memref<2x128xi32, #tpu.memory_space<vmem>>, vector<16xi32>,
      tpu.vector_store %arg8[%swap3A_438, %swap3A_439], %get3A_436 {strides = array<i32>} : memref<2x128xi32, #tpu.memory_space<vmem>>, vector<16xi32>,
      %mul3A_441 = arith.constant 128 : i32
      %mul3A_442 = arith.muli %add3A_340, %mul3A_441 : i32
      %add3A_443 = arith.constant 80 : i32
      %add3A_444 = arith.addi %mul3A_442, %add3A_443 : i32
      %get3A_445 = arith.index_cast %add3A_444 : i32 to index
      %get3A_446 = tpu.vector_load %arg5[%get3A_445] {strides = array<i32>} : memref<20752xi32, #tpu.memory_space<vmem>>, vector<16xi32>,
      %swap3A_447 = arith.constant 1 : i32
      %swap3A_448 = arith.index_cast %swap3A_447 : i32 to index
      %swap3A_449 = arith.constant 80 : index
      %swap3A_450 = tpu.vector_load %arg7[%swap3A_448, %swap3A_449] {strides = array<i32>} : memref<2x128xi32, #tpu.memory_space<vmem>>, vector<16xi32>,
      tpu.vector_store %arg7[%swap3A_448, %swap3A_449], %get3A_446 {strides = array<i32>} : memref<2x128xi32, #tpu.memory_space<vmem>>, vector<16xi32>,
      %mul3A_451 = arith.constant 128 : i32
      %mul3A_452 = arith.muli %add3A_340, %mul3A_451 : i32
      %add3A_453 = arith.constant 80 : i32
      %add3A_454 = arith.addi %mul3A_452, %add3A_453 : i32
      %get3A_455 = arith.index_cast %add3A_454 : i32 to index
      %get3A_456 = tpu.vector_load %arg6[%get3A_455] {strides = array<i32>} : memref<20752xi32, #tpu.memory_space<vmem>>, vector<16xi32>,
      %swap3A_457 = arith.constant 1 : i32
      %swap3A_458 = arith.index_cast %swap3A_457 : i32 to index
      %swap3A_459 = arith.constant 80 : index
      %swap3A_460 = tpu.vector_load %arg8[%swap3A_458, %swap3A_459] {strides = array<i32>} : memref<2x128xi32, #tpu.memory_space<vmem>>, vector<16xi32>,
      tpu.vector_store %arg8[%swap3A_458, %swap3A_459], %get3A_456 {strides = array<i32>} : memref<2x128xi32, #tpu.memory_space<vmem>>, vector<16xi32>,
      %mul3A_461 = arith.constant 128 : i32
      %mul3A_462 = arith.muli %add3A_340, %mul3A_461 : i32
      %add3A_463 = arith.constant 96 : i32
      %add3A_464 = arith.addi %mul3A_462, %add3A_463 : i32
      %get3A_465 = arith.index_cast %add3A_464 : i32 to index
      %get3A_466 = tpu.vector_load %arg5[%get3A_465] {strides = array<i32>} : memref<20752xi32, #tpu.memory_space<vmem>>, vector<16xi32>,
      %swap3A_467 = arith.constant 1 : i32
      %swap3A_468 = arith.index_cast %swap3A_467 : i32 to index
      %swap3A_469 = arith.constant 96 : index
      %swap3A_470 = tpu.vector_load %arg7[%swap3A_468, %swap3A_469] {strides = array<i32>} : memref<2x128xi32, #tpu.memory_space<vmem>>, vector<16xi32>,
      tpu.vector_store %arg7[%swap3A_468, %swap3A_469], %get3A_466 {strides = array<i32>} : memref<2x128xi32, #tpu.memory_space<vmem>>, vector<16xi32>,
      %mul3A_471 = arith.constant 128 : i32
      %mul3A_472 = arith.muli %add3A_340, %mul3A_471 : i32
      %add3A_473 = arith.constant 96 : i32
      %add3A_474 = arith.addi %mul3A_472, %add3A_473 : i32
      %get3A_475 = arith.index_cast %add3A_474 : i32 to index
      %get3A_476 = tpu.vector_load %arg6[%get3A_475] {strides = array<i32>} : memref<20752xi32, #tpu.memory_space<vmem>>, vector<16xi32>,
      %swap3A_477 = arith.constant 1 : i32
      %swap3A_478 = arith.index_cast %swap3A_477 : i32 to index
      %swap3A_479 = arith.constant 96 : index
      %swap3A_480 = tpu.vector_load %arg8[%swap3A_478, %swap3A_479] {strides = array<i32>} : memref<2x128xi32, #tpu.memory_space<vmem>>, vector<16xi32>,
      tpu.vector_store %arg8[%swap3A_478, %swap3A_479], %get3A_476 {strides = array<i32>} : memref<2x128xi32, #tpu.memory_space<vmem>>, vector<16xi32>,
      %mul3A_481 = arith.constant 128 : i32
      %mul3A_482 = arith.muli %add3A_340, %mul3A_481 : i32
      %add3A_483 = arith.constant 112 : i32
      %add3A_484 = arith.addi %mul3A_482, %add3A_483 : i32
      %get3A_485 = arith.index_cast %add3A_484 : i32 to index
      %get3A_486 = tpu.vector_load %arg5[%get3A_485] {strides = array<i32>} : memref<20752xi32, #tpu.memory_space<vmem>>, vector<16xi32>,
      %swap3A_487 = arith.constant 1 : i32
      %swap3A_488 = arith.index_cast %swap3A_487 : i32 to index
      %swap3A_489 = arith.constant 112 : index
      %swap3A_490 = tpu.vector_load %arg7[%swap3A_488, %swap3A_489] {strides = array<i32>} : memref<2x128xi32, #tpu.memory_space<vmem>>, vector<16xi32>,
      tpu.vector_store %arg7[%swap3A_488, %swap3A_489], %get3A_486 {strides = array<i32>} : memref<2x128xi32, #tpu.memory_space<vmem>>, vector<16xi32>,
      %mul3A_491 = arith.constant 128 : i32
      %mul3A_492 = arith.muli %add3A_340, %mul3A_491 : i32
      %add3A_493 = arith.constant 112 : i32
      %add3A_494 = arith.addi %mul3A_492, %add3A_493 : i32
      %get3A_495 = arith.index_cast %add3A_494 : i32 to index
      %get3A_496 = tpu.vector_load %arg6[%get3A_495] {strides = array<i32>} : memref<20752xi32, #tpu.memory_space<vmem>>, vector<16xi32>,
      %swap3A_497 = arith.constant 1 : i32
      %swap3A_498 = arith.index_cast %swap3A_497 : i32 to index
      %swap3A_499 = arith.constant 112 : index
      %swap3A_500 = tpu.vector_load %arg8[%swap3A_498, %swap3A_499] {strides = array<i32>} : memref<2x128xi32, #tpu.memory_space<vmem>>, vector<16xi32>,
      tpu.vector_store %arg8[%swap3A_498, %swap3A_499], %get3A_496 {strides = array<i32>} : memref<2x128xi32, #tpu.memory_space<vmem>>, vector<16xi32>,
      %dma_start3A = arith.constant 0 : i32
      %dma_start3A_501 = arith.constant 0 : i32
      %dma_start3A_502 = arith.constant 0 : i32
      %dma_start3A_503 = arith.constant 0 : i32
      %dma_start3A_504 = arith.constant 0 : i32
      %dma_start3A_505 = tpu.memref_slice %arg9[%dma_start3A_501, %dma_start3A_503, %dma_start3A_504] : memref<2x128x128xf32, #tpu.memory_space<vmem>> -> memref<1x128x128xf32, #tpu.memory_space<vmem>>
      %dma_start3A_506 = tpu.memref_squeeze %dma_start3A_505 : memref<1x128x128xf32, #tpu.memory_space<vmem>> -> memref<128x128xf32, #tpu.memory_space<vmem>>
      %dma_start3A_507 = arith.constant 0 : i32
      %dma_start3A_508 = tpu.memref_slice %arg7[%dma_start3A, %dma_start3A_507] : memref<2x128xi32, #tpu.memory_space<vmem>> -> memref<1x128xi32, #tpu.memory_space<vmem>>
      %dma_start3A_509 = tpu.memref_squeeze %dma_start3A_508 : memref<1x128xi32, #tpu.memory_space<vmem>> -> memref<128xi32, #tpu.memory_space<vmem>>
      %dma_start3A_510 = arith.constant 0 : i32
      %dma_start3A_511 = arith.constant 0 : i32
      %dma_start3A_512 = tpu.memref_slice %arg2[%dma_start3A_510, %dma_start3A_511] : memref<10240x128xf32, #tpu.memory_space<hbm>> -> memref<10240x128xf32, #tpu.memory_space<hbm>>
      %dma_start3A_513 = tpu.memref_slice %arg11[%dma_start3A_502] : memref<2x!tpu.dma_semaphore, #tpu.memory_space<semaphore_mem>> -> memref<1x!tpu.dma_semaphore, #tpu.memory_space<semaphore_mem>>
      %dma_start3A_514 = tpu.memref_squeeze %dma_start3A_513 : memref<1x!tpu.dma_semaphore, #tpu.memory_space<semaphore_mem>> -> memref<!tpu.dma_semaphore, #tpu.memory_space<semaphore_mem>>
      tpu.enqueue_indirect_dma source(%dma_start3A_512 : memref<10240x128xf32, #tpu.memory_space<hbm>>) target(%dma_start3A_506 : memref<128x128xf32, #tpu.memory_space<vmem>>) offsets(%dma_start3A_509 : memref<128xi32, #tpu.memory_space<vmem>>) semaphore(%dma_start3A_514 : memref<!tpu.dma_semaphore, #tpu.memory_space<semaphore_mem>>)
      %dma_start3A_515 = arith.constant 1 : i32
      %dma_start3A_516 = arith.constant 1 : i32
      %dma_start3A_517 = arith.constant 1 : i32
      %dma_start3A_518 = arith.constant 0 : i32
      %dma_start3A_519 = arith.constant 0 : i32
      %dma_start3A_520 = tpu.memref_slice %arg9[%dma_start3A_516, %dma_start3A_518, %dma_start3A_519] : memref<2x128x128xf32, #tpu.memory_space<vmem>> -> memref<1x128x128xf32, #tpu.memory_space<vmem>>
      %dma_start3A_521 = tpu.memref_squeeze %dma_start3A_520 : memref<1x128x128xf32, #tpu.memory_space<vmem>> -> memref<128x128xf32, #tpu.memory_space<vmem>>
      %dma_start3A_522 = arith.constant 0 : i32
      %dma_start3A_523 = tpu.memref_slice %arg7[%dma_start3A_515, %dma_start3A_522] : memref<2x128xi32, #tpu.memory_space<vmem>> -> memref<1x128xi32, #tpu.memory_space<vmem>>
      %dma_start3A_524 = tpu.memref_squeeze %dma_start3A_523 : memref<1x128xi32, #tpu.memory_space<vmem>> -> memref<128xi32, #tpu.memory_space<vmem>>
      %dma_start3A_525 = arith.constant 0 : i32
      %dma_start3A_526 = arith.constant 0 : i32
      %dma_start3A_527 = tpu.memref_slice %arg2[%dma_start3A_525, %dma_start3A_526] : memref<10240x128xf32, #tpu.memory_space<hbm>> -> memref<10240x128xf32, #tpu.memory_space<hbm>>
      %dma_start3A_528 = tpu.memref_slice %arg11[%dma_start3A_517] : memref<2x!tpu.dma_semaphore, #tpu.memory_space<semaphore_mem>> -> memref<1x!tpu.dma_semaphore, #tpu.memory_space<semaphore_mem>>
      %dma_start3A_529 = tpu.memref_squeeze %dma_start3A_528 : memref<1x!tpu.dma_semaphore, #tpu.memory_space<semaphore_mem>> -> memref<!tpu.dma_semaphore, #tpu.memory_space<semaphore_mem>>
      tpu.enqueue_indirect_dma source(%dma_start3A_527 : memref<10240x128xf32, #tpu.memory_space<hbm>>) target(%dma_start3A_521 : memref<128x128xf32, #tpu.memory_space<vmem>>) offsets(%dma_start3A_524 : memref<128xi32, #tpu.memory_space<vmem>>) semaphore(%dma_start3A_529 : memref<!tpu.dma_semaphore, #tpu.memory_space<semaphore_mem>>)
      %dma_wait3A = arith.constant 0 : i32
      %dma_wait3A_530 = arith.constant 0 : i32
      %dma_wait3A_531 = arith.constant 0 : i32
      %dma_wait3A_532 = arith.constant 0 : i32
      %dma_wait3A_533 = arith.constant 0 : i32
      %dma_wait3A_534 = tpu.memref_slice %arg9[%dma_wait3A_530, %dma_wait3A_532, %dma_wait3A_533] : memref<2x128x128xf32, #tpu.memory_space<vmem>> -> memref<1x128x128xf32, #tpu.memory_space<vmem>>
      %dma_wait3A_535 = tpu.memref_squeeze %dma_wait3A_534 : memref<1x128x128xf32, #tpu.memory_space<vmem>> -> memref<128x128xf32, #tpu.memory_space<vmem>>
      %dma_wait3A_536 = arith.constant 0 : i32
      %dma_wait3A_537 = tpu.memref_slice %arg7[%dma_wait3A, %dma_wait3A_536] : memref<2x128xi32, #tpu.memory_space<vmem>> -> memref<1x128xi32, #tpu.memory_space<vmem>>
      %dma_wait3A_538 = tpu.memref_squeeze %dma_wait3A_537 : memref<1x128xi32, #tpu.memory_space<vmem>> -> memref<128xi32, #tpu.memory_space<vmem>>
      %dma_wait3A_539 = arith.constant 0 : i32
      %dma_wait3A_540 = arith.constant 0 : i32
      %dma_wait3A_541 = tpu.memref_slice %arg2[%dma_wait3A_539, %dma_wait3A_540] : memref<10240x128xf32, #tpu.memory_space<hbm>> -> memref<10240x128xf32, #tpu.memory_space<hbm>>
      %dma_wait3A_542 = tpu.memref_slice %arg11[%dma_wait3A_531] : memref<2x!tpu.dma_semaphore, #tpu.memory_space<semaphore_mem>> -> memref<1x!tpu.dma_semaphore, #tpu.memory_space<semaphore_mem>>
      %dma_wait3A_543 = tpu.memref_squeeze %dma_wait3A_542 : memref<1x!tpu.dma_semaphore, #tpu.memory_space<semaphore_mem>> -> memref<!tpu.dma_semaphore, #tpu.memory_space<semaphore_mem>>
      tpu.wait_indirect_dma semaphore(%dma_wait3A_543 : memref<!tpu.dma_semaphore, #tpu.memory_space<semaphore_mem>>) src(%dma_wait3A_541 : memref<10240x128xf32, #tpu.memory_space<hbm>>) dst(%dma_wait3A_535 : memref<128x128xf32, #tpu.memory_space<vmem>>)
      %dma_start3A_544 = arith.constant 0 : i32
      %dma_start3A_545 = arith.constant 0 : i32
      %dma_start3A_546 = arith.constant 0 : i32
      %dma_start3A_547 = arith.constant 0 : i32
      %dma_start3A_548 = arith.constant 0 : i32
      %dma_start3A_549 = tpu.memref_slice %arg9[%dma_start3A_544, %dma_start3A_547, %dma_start3A_548] : memref<2x128x128xf32, #tpu.memory_space<vmem>> -> memref<1x128x128xf32, #tpu.memory_space<vmem>>
      %dma_start3A_550 = tpu.memref_squeeze %dma_start3A_549 : memref<1x128x128xf32, #tpu.memory_space<vmem>> -> memref<128x128xf32, #tpu.memory_space<vmem>>
      %dma_start3A_551 = arith.constant 0 : i32
      %dma_start3A_552 = tpu.memref_slice %arg8[%dma_start3A_545, %dma_start3A_551] : memref<2x128xi32, #tpu.memory_space<vmem>> -> memref<1x128xi32, #tpu.memory_space<vmem>>
      %dma_start3A_553 = tpu.memref_squeeze %dma_start3A_552 : memref<1x128xi32, #tpu.memory_space<vmem>> -> memref<128xi32, #tpu.memory_space<vmem>>
      %dma_start3A_554 = arith.constant 0 : i32
      %dma_start3A_555 = arith.constant 0 : i32
      %dma_start3A_556 = tpu.memref_slice %arg10[%dma_start3A_554, %dma_start3A_555] : memref<5248x128xf32, #tpu.memory_space<vmem_shared>> -> memref<5248x128xf32, #tpu.memory_space<vmem_shared>>
      %dma_start3A_557 = tpu.memref_slice %arg12[%dma_start3A_546] : memref<2x!tpu.dma_semaphore, #tpu.memory_space<semaphore_mem>> -> memref<1x!tpu.dma_semaphore, #tpu.memory_space<semaphore_mem>>
      %dma_start3A_558 = tpu.memref_squeeze %dma_start3A_557 : memref<1x!tpu.dma_semaphore, #tpu.memory_space<semaphore_mem>> -> memref<!tpu.dma_semaphore, #tpu.memory_space<semaphore_mem>>
      tpu.enqueue_indirect_dma source(%dma_start3A_550 : memref<128x128xf32, #tpu.memory_space<vmem>>) target(%dma_start3A_556 : memref<5248x128xf32, #tpu.memory_space<vmem_shared>>) offsets(%dma_start3A_553 : memref<128xi32, #tpu.memory_space<vmem>>) semaphore(%dma_start3A_558 : memref<!tpu.dma_semaphore, #tpu.memory_space<semaphore_mem>>) {add = true}
      %dma_wait3A_559 = arith.constant 1 : i32
      %dma_wait3A_560 = arith.constant 1 : i32
      %dma_wait3A_561 = arith.constant 1 : i32
      %dma_wait3A_562 = arith.constant 0 : i32
      %dma_wait3A_563 = arith.constant 0 : i32
      %dma_wait3A_564 = tpu.memref_slice %arg9[%dma_wait3A_560, %dma_wait3A_562, %dma_wait3A_563] : memref<2x128x128xf32, #tpu.memory_space<vmem>> -> memref<1x128x128xf32, #tpu.memory_space<vmem>>
      %dma_wait3A_565 = tpu.memref_squeeze %dma_wait3A_564 : memref<1x128x128xf32, #tpu.memory_space<vmem>> -> memref<128x128xf32, #tpu.memory_space<vmem>>
      %dma_wait3A_566 = arith.constant 0 : i32
      %dma_wait3A_567 = tpu.memref_slice %arg7[%dma_wait3A_559, %dma_wait3A_566] : memref<2x128xi32, #tpu.memory_space<vmem>> -> memref<1x128xi32, #tpu.memory_space<vmem>>
      %dma_wait3A_568 = tpu.memref_squeeze %dma_wait3A_567 : memref<1x128xi32, #tpu.memory_space<vmem>> -> memref<128xi32, #tpu.memory_space<vmem>>
      %dma_wait3A_569 = arith.constant 0 : i32
      %dma_wait3A_570 = arith.constant 0 : i32
      %dma_wait3A_571 = tpu.memref_slice %arg2[%dma_wait3A_569, %dma_wait3A_570] : memref<10240x128xf32, #tpu.memory_space<hbm>> -> memref<10240x128xf32, #tpu.memory_space<hbm>>
      %dma_wait3A_572 = tpu.memref_slice %arg11[%dma_wait3A_561] : memref<2x!tpu.dma_semaphore, #tpu.memory_space<semaphore_mem>> -> memref<1x!tpu.dma_semaphore, #tpu.memory_space<semaphore_mem>>
      %dma_wait3A_573 = tpu.memref_squeeze %dma_wait3A_572 : memref<1x!tpu.dma_semaphore, #tpu.memory_space<semaphore_mem>> -> memref<!tpu.dma_semaphore, #tpu.memory_space<semaphore_mem>>
      tpu.wait_indirect_dma semaphore(%dma_wait3A_573 : memref<!tpu.dma_semaphore, #tpu.memory_space<semaphore_mem>>) src(%dma_wait3A_571 : memref<10240x128xf32, #tpu.memory_space<hbm>>) dst(%dma_wait3A_565 : memref<128x128xf32, #tpu.memory_space<vmem>>)
      %dma_start3A_574 = arith.constant 1 : i32
      %dma_start3A_575 = arith.constant 1 : i32
      %dma_start3A_576 = arith.constant 1 : i32
      %dma_start3A_577 = arith.constant 0 : i32
      %dma_start3A_578 = arith.constant 0 : i32
      %dma_start3A_579 = tpu.memref_slice %arg9[%dma_start3A_574, %dma_start3A_577, %dma_start3A_578] : memref<2x128x128xf32, #tpu.memory_space<vmem>> -> memref<1x128x128xf32, #tpu.memory_space<vmem>>
      %dma_start3A_580 = tpu.memref_squeeze %dma_start3A_579 : memref<1x128x128xf32, #tpu.memory_space<vmem>> -> memref<128x128xf32, #tpu.memory_space<vmem>>
      %dma_start3A_581 = arith.constant 0 : i32
      %dma_start3A_582 = tpu.memref_slice %arg8[%dma_start3A_575, %dma_start3A_581] : memref<2x128xi32, #tpu.memory_space<vmem>> -> memref<1x128xi32, #tpu.memory_space<vmem>>
      %dma_start3A_583 = tpu.memref_squeeze %dma_start3A_582 : memref<1x128xi32, #tpu.memory_space<vmem>> -> memref<128xi32, #tpu.memory_space<vmem>>
      %dma_start3A_584 = arith.constant 0 : i32
      %dma_start3A_585 = arith.constant 0 : i32
      %dma_start3A_586 = tpu.memref_slice %arg10[%dma_start3A_584, %dma_start3A_585] : memref<5248x128xf32, #tpu.memory_space<vmem_shared>> -> memref<5248x128xf32, #tpu.memory_space<vmem_shared>>
      %dma_start3A_587 = tpu.memref_slice %arg12[%dma_start3A_576] : memref<2x!tpu.dma_semaphore, #tpu.memory_space<semaphore_mem>> -> memref<1x!tpu.dma_semaphore, #tpu.memory_space<semaphore_mem>>
      %dma_start3A_588 = tpu.memref_squeeze %dma_start3A_587 : memref<1x!tpu.dma_semaphore, #tpu.memory_space<semaphore_mem>> -> memref<!tpu.dma_semaphore, #tpu.memory_space<semaphore_mem>>
      tpu.enqueue_indirect_dma source(%dma_start3A_580 : memref<128x128xf32, #tpu.memory_space<vmem>>) target(%dma_start3A_586 : memref<5248x128xf32, #tpu.memory_space<vmem_shared>>) offsets(%dma_start3A_583 : memref<128xi32, #tpu.memory_space<vmem>>) semaphore(%dma_start3A_588 : memref<!tpu.dma_semaphore, #tpu.memory_space<semaphore_mem>>) {add = true}
      %dma_wait3A_589 = arith.constant 0 : i32
      %dma_wait3A_590 = arith.constant 0 : i32
      %dma_wait3A_591 = arith.constant 0 : i32
      %dma_wait3A_592 = arith.constant 0 : i32
      %dma_wait3A_593 = arith.constant 0 : i32
      %dma_wait3A_594 = tpu.memref_slice %arg9[%dma_wait3A_589, %dma_wait3A_592, %dma_wait3A_593] : memref<2x128x128xf32, #tpu.memory_space<vmem>> -> memref<1x128x128xf32, #tpu.memory_space<vmem>>
      %dma_wait3A_595 = tpu.memref_squeeze %dma_wait3A_594 : memref<1x128x128xf32, #tpu.memory_space<vmem>> -> memref<128x128xf32, #tpu.memory_space<vmem>>
      %dma_wait3A_596 = arith.constant 0 : i32
      %dma_wait3A_597 = tpu.memref_slice %arg8[%dma_wait3A_590, %dma_wait3A_596] : memref<2x128xi32, #tpu.memory_space<vmem>> -> memref<1x128xi32, #tpu.memory_space<vmem>>
      %dma_wait3A_598 = tpu.memref_squeeze %dma_wait3A_597 : memref<1x128xi32, #tpu.memory_space<vmem>> -> memref<128xi32, #tpu.memory_space<vmem>>
      %dma_wait3A_599 = arith.constant 0 : i32
      %dma_wait3A_600 = arith.constant 0 : i32
      %dma_wait3A_601 = tpu.memref_slice %arg10[%dma_wait3A_599, %dma_wait3A_600] : memref<5248x128xf32, #tpu.memory_space<vmem_shared>> -> memref<5248x128xf32, #tpu.memory_space<vmem_shared>>
      %dma_wait3A_602 = tpu.memref_slice %arg12[%dma_wait3A_591] : memref<2x!tpu.dma_semaphore, #tpu.memory_space<semaphore_mem>> -> memref<1x!tpu.dma_semaphore, #tpu.memory_space<semaphore_mem>>
      %dma_wait3A_603 = tpu.memref_squeeze %dma_wait3A_602 : memref<1x!tpu.dma_semaphore, #tpu.memory_space<semaphore_mem>> -> memref<!tpu.dma_semaphore, #tpu.memory_space<semaphore_mem>>
      tpu.wait_indirect_dma semaphore(%dma_wait3A_603 : memref<!tpu.dma_semaphore, #tpu.memory_space<semaphore_mem>>) src(%dma_wait3A_595 : memref<128x128xf32, #tpu.memory_space<vmem>>) dst(%dma_wait3A_601 : memref<5248x128xf32, #tpu.memory_space<vmem_shared>>)
      %dma_wait3A_604 = arith.constant 1 : i32
      %dma_wait3A_605 = arith.constant 1 : i32
      %dma_wait3A_606 = arith.constant 1 : i32
      %dma_wait3A_607 = arith.constant 0 : i32
      %dma_wait3A_608 = arith.constant 0 : i32
      %dma_wait3A_609 = tpu.memref_slice %arg9[%dma_wait3A_604, %dma_wait3A_607, %dma_wait3A_608] : memref<2x128x128xf32, #tpu.memory_space<vmem>> -> memref<1x128x128xf32, #tpu.memory_space<vmem>>
      %dma_wait3A_610 = tpu.memref_squeeze %dma_wait3A_609 : memref<1x128x128xf32, #tpu.memory_space<vmem>> -> memref<128x128xf32, #tpu.memory_space<vmem>>
      %dma_wait3A_611 = arith.constant 0 : i32
      %dma_wait3A_612 = tpu.memref_slice %arg8[%dma_wait3A_605, %dma_wait3A_611] : memref<2x128xi32, #tpu.memory_space<vmem>> -> memref<1x128xi32, #tpu.memory_space<vmem>>
      %dma_wait3A_613 = tpu.memref_squeeze %dma_wait3A_612 : memref<1x128xi32, #tpu.memory_space<vmem>> -> memref<128xi32, #tpu.memory_space<vmem>>
      %dma_wait3A_614 = arith.constant 0 : i32
      %dma_wait3A_615 = arith.constant 0 : i32
      %dma_wait3A_616 = tpu.memref_slice %arg10[%dma_wait3A_614, %dma_wait3A_615] : memref<5248x128xf32, #tpu.memory_space<vmem_shared>> -> memref<5248x128xf32, #tpu.memory_space<vmem_shared>>
      %dma_wait3A_617 = tpu.memref_slice %arg12[%dma_wait3A_606] : memref<2x!tpu.dma_semaphore, #tpu.memory_space<semaphore_mem>> -> memref<1x!tpu.dma_semaphore, #tpu.memory_space<semaphore_mem>>
      %dma_wait3A_618 = tpu.memref_squeeze %dma_wait3A_617 : memref<1x!tpu.dma_semaphore, #tpu.memory_space<semaphore_mem>> -> memref<!tpu.dma_semaphore, #tpu.memory_space<semaphore_mem>>
      tpu.wait_indirect_dma semaphore(%dma_wait3A_618 : memref<!tpu.dma_semaphore, #tpu.memory_space<semaphore_mem>>) src(%dma_wait3A_610 : memref<128x128xf32, #tpu.memory_space<vmem>>) dst(%dma_wait3A_616 : memref<5248x128xf32, #tpu.memory_space<vmem_shared>>)
    }
    %barrier3A_171 = arith.constant 0 : index
    tpu.barrier barrier_id(%barrier3A_171)
    %mul3A_172 = arith.constant 320 : i32
    %mul3A_173 = arith.muli %arg1, %mul3A_172 : i32
    "tpu.region"() ({
      %run_scoped3A_174 = tpu.sem_alloc : memref<!tpu.dma_semaphore, #tpu.memory_space<semaphore_mem>>
      %dma_start3A = arith.constant 0 : i32
      %dma_start3A_175 = tpu.memref_slice %arg4[%arg0, %mul3A_173, %dma_start3A] : memref<2x5120x128xf32, #tpu.memory_space<hbm>> -> memref<1x320x128xf32, #tpu.memory_space<hbm>>
      %dma_start3A_176 = tpu.memref_squeeze %dma_start3A_175 : memref<1x320x128xf32, #tpu.memory_space<hbm>> -> memref<320x128xf32, #tpu.memory_space<hbm>>
      %dma_start3A_177 = arith.constant 0 : i32
      %dma_start3A_178 = tpu.memref_slice %arg10[%mul3A_173, %dma_start3A_177] : memref<5248x128xf32, #tpu.memory_space<vmem_shared>> -> memref<320x128xf32, #tpu.memory_space<vmem_shared>>
      tpu.enqueue_dma source(%dma_start3A_178 : memref<320x128xf32, #tpu.memory_space<vmem_shared>>) target(%dma_start3A_176 : memref<320x128xf32, #tpu.memory_space<hbm>>) target_semaphore(%run_scoped3A_174 : memref<!tpu.dma_semaphore, #tpu.memory_space<semaphore_mem>>)
      %dma_wait3A = arith.constant 0 : i32
      %dma_wait3A_179 = tpu.memref_slice %arg4[%arg0, %mul3A_173, %dma_wait3A] : memref<2x5120x128xf32, #tpu.memory_space<hbm>> -> memref<1x320x128xf32, #tpu.memory_space<hbm>>
      %dma_wait3A_180 = tpu.memref_squeeze %dma_wait3A_179 : memref<1x320x128xf32, #tpu.memory_space<hbm>> -> memref<320x128xf32, #tpu.memory_space<hbm>>
      %dma_wait3A_181 = arith.constant 0 : i32
      %dma_wait3A_182 = tpu.memref_slice %arg10[%mul3A_173, %dma_wait3A_181] : memref<5248x128xf32, #tpu.memory_space<vmem_shared>> -> memref<320x128xf32, #tpu.memory_space<vmem_shared>>
      tpu.wait_dma2 semaphore(%run_scoped3A_174 : memref<!tpu.dma_semaphore, #tpu.memory_space<semaphore_mem>>) src(%dma_wait3A_182 : memref<320x128xf32, #tpu.memory_space<vmem_shared>>) dst(%dma_wait3A_180 : memref<320x128xf32, #tpu.memory_space<hbm>>)
      tpu.yield
    }) : () -> ()
    return
  }
}

module attributes {stable_mosaic.version = 14 : i64} {
  func.func @_tc1_body(%arg0: i32, %arg1: memref<1024x128xf32, #tpu.memory_space<vmem>>, %arg2: memref<128x128xf32, #tpu.memory_space<vmem>>, %arg3: memref<32x1024xf32, #tpu.memory_space<vmem>>, %arg4: memref<1024x128xf32, #tpu.memory_space<vmem>>, %arg5: memref<1024x128xf32, #tpu.memory_space<vmem>>) attributes {dimension_semantics = [#tpu.dimension_semantics<arbitrary>], iteration_bounds = array<i64: 10>, scalar_prefetch = 0 : i64, scratch_operands = 0 : i64, tpu.core_type = #tpu.core_type<tc>, window_params = [{transform_indices = @transform_0, window_bounds = array<i64: 1024, 128>}, {pipeline_mode = #tpu.pipeline_mode<synchronous>, transform_indices = @transform_1, window_bounds = array<i64: 128, 128>}, {transform_indices = @transform_2, window_bounds = array<i64: 32, 1024>}, {transform_indices = @transform_3, window_bounds = array<i64: 1024, 128>}, {transform_indices = @transform_4, window_bounds = array<i64: 1024, 128>}]} {
    %broadcast_in_dim3A = arith.constant 1.000000e+00 : f32
    %broadcast_in_dim3A_0 = vector.broadcast %broadcast_in_dim3A : f32 to vector<32x128xf32>
    %get3A = arith.constant 0 : index
    %get3A_1 = arith.constant 0 : index
    %get3A_2 = vector.load %arg3[%get3A, %get3A_1] : memref<32x1024xf32, #tpu.memory_space<vmem>>, vector<32x1024xf32>
    %dot_general3A = arith.constant dense<0.000000e+00> : vector<1024x128xf32>
    %dot_general3A_3 = tpu.matmul %get3A_2, %broadcast_in_dim3A_0, %dot_general3A {dimension_numbers = #tpu.dot_dimension_numbers<[0], [0], [1], [1], [0, 1, 1, 1], [], []>, transpose_lhs_hint = false} : vector<32x1024xf32>, vector<32x128xf32>, vector<1024x128xf32> -> vector<1024x128xf32>
    %add3A = arith.constant 1.000000e+00 : f32
    %add3A_4 = vector.broadcast %add3A : f32 to vector<1024x128xf32>
    %add3A_5 = arith.addf %dot_general3A_3, %add3A_4 : vector<1024x128xf32>
    %rsqrt3A = math.rsqrt %add3A_5 : vector<1024x128xf32>
    %get3A_6 = arith.constant 0 : index
    %get3A_7 = arith.constant 0 : index
    %get3A_8 = vector.load %arg1[%get3A_6, %get3A_7] : memref<1024x128xf32, #tpu.memory_space<vmem>>, vector<1024x128xf32>
    %get3A_9 = arith.constant 0 : index
    %get3A_10 = arith.constant 0 : index
    %get3A_11 = vector.load %arg2[%get3A_9, %get3A_10] : memref<128x128xf32, #tpu.memory_space<vmem>>, vector<128x128xf32>
    %dot_general3A_12 = arith.constant dense<0.000000e+00> : vector<1024x128xf32>
    %dot_general3A_13 = tpu.matmul %get3A_8, %get3A_11, %dot_general3A_12 {dimension_numbers = #tpu.dot_dimension_numbers<[1], [0], [0], [1], [0, 0, 1, 1], [], []>, transpose_lhs_hint = false} : vector<1024x128xf32>, vector<128x128xf32>, vector<1024x128xf32> -> vector<1024x128xf32>
    %mul3A = arith.mulf %dot_general3A_13, %rsqrt3A : vector<1024x128xf32>
    %swap3A = arith.constant 0 : index
    %swap3A_14 = arith.constant 0 : index
    %swap3A_15 = vector.load %arg4[%swap3A, %swap3A_14] : memref<1024x128xf32, #tpu.memory_space<vmem>>, vector<1024x128xf32>
    tpu.vector_store %arg4[%swap3A, %swap3A_14], %mul3A {strides = array<i32>} : memref<1024x128xf32, #tpu.memory_space<vmem>>, vector<1024x128xf32>,
    %swap3A_16 = arith.constant 0 : index
    %swap3A_17 = arith.constant 0 : index
    %swap3A_18 = vector.load %arg5[%swap3A_16, %swap3A_17] : memref<1024x128xf32, #tpu.memory_space<vmem>>, vector<1024x128xf32>
    tpu.vector_store %arg5[%swap3A_16, %swap3A_17], %rsqrt3A {strides = array<i32>} : memref<1024x128xf32, #tpu.memory_space<vmem>>, vector<1024x128xf32>,
    return
  }
  func.func @transform_0(%arg0: i32) -> (i32, i32) {
    %c0_i32 = arith.constant 0 : i32
    %c0_i32_0 = arith.constant 0 : i32
    return %arg0, %c0_i32 : i32, i32
  }
  func.func @transform_1(%arg0: i32) -> (i32, i32) {
    %c0_i32 = arith.constant 0 : i32
    %c0_i32_0 = arith.constant 0 : i32
    %c0_i32_1 = arith.constant 0 : i32
    return %c0_i32, %c0_i32_0 : i32, i32
  }
  func.func @transform_2(%arg0: i32) -> (i32, i32) {
    %c0_i32 = arith.constant 0 : i32
    %c0_i32_0 = arith.constant 0 : i32
    return %c0_i32, %arg0 : i32, i32
  }
  func.func @transform_3(%arg0: i32) -> (i32, i32) {
    %c0_i32 = arith.constant 0 : i32
    %c0_i32_0 = arith.constant 0 : i32
    return %arg0, %c0_i32 : i32, i32
  }
  func.func @transform_4(%arg0: i32) -> (i32, i32) {
    %c0_i32 = arith.constant 0 : i32
    %c0_i32_0 = arith.constant 0 : i32
    return %arg0, %c0_i32 : i32, i32
  }
}

module attributes {stable_mosaic.version = 14 : i64} {
  func.func @_tc2_body(%arg0: i32, %arg1: memref<1024x128xf32, #tpu.memory_space<vmem>>, %arg2: memref<1024x128xf32, #tpu.memory_space<vmem>>, %arg3: memref<1024x128xf32, #tpu.memory_space<vmem>>, %arg4: memref<128xf32, #tpu.memory_space<vmem>>, %arg5: memref<128x128xf32, #tpu.memory_space<vmem>>, %arg6: memref<1024x128xf32, #tpu.memory_space<vmem>>) attributes {dimension_semantics = [#tpu.dimension_semantics<arbitrary>], iteration_bounds = array<i64: 10>, scalar_prefetch = 0 : i64, scratch_operands = 0 : i64, tpu.core_type = #tpu.core_type<tc>, window_params = [{transform_indices = @transform_0, window_bounds = array<i64: 1024, 128>}, {transform_indices = @transform_1, window_bounds = array<i64: 1024, 128>}, {transform_indices = @transform_2, window_bounds = array<i64: 1024, 128>}, {pipeline_mode = #tpu.pipeline_mode<synchronous>, transform_indices = @transform_3, window_bounds = array<i64: 128>}, {pipeline_mode = #tpu.pipeline_mode<synchronous>, transform_indices = @transform_4, window_bounds = array<i64: 128, 128>}, {transform_indices = @transform_5, window_bounds = array<i64: 1024, 128>}]} {
    %get3A = arith.constant 0 : index
    %get3A_0 = arith.constant 0 : index
    %get3A_1 = vector.load %arg1[%get3A, %get3A_0] : memref<1024x128xf32, #tpu.memory_space<vmem>>, vector<1024x128xf32>
    %get3A_2 = arith.constant 0 : index
    %get3A_3 = arith.constant 0 : index
    %get3A_4 = vector.load %arg2[%get3A_2, %get3A_3] : memref<1024x128xf32, #tpu.memory_space<vmem>>, vector<1024x128xf32>
    %add3A = arith.addf %get3A_1, %get3A_4 : vector<1024x128xf32>
    %get3A_5 = arith.constant 0 : index
    %get3A_6 = arith.constant 0 : index
    %get3A_7 = vector.load %arg3[%get3A_5, %get3A_6] : memref<1024x128xf32, #tpu.memory_space<vmem>>, vector<1024x128xf32>
    %mul3A = arith.mulf %add3A, %get3A_7 : vector<1024x128xf32>
    %get3A_8 = arith.constant 0 : index
    %get3A_9 = vector.load %arg4[%get3A_8] : memref<128xf32, #tpu.memory_space<vmem>>, vector<128xf32>
    %broadcast_in_dim3A = vector.shape_cast %get3A_9 : vector<128xf32> to vector<1x128xf32>
    %add3A_10 = vector.broadcast %broadcast_in_dim3A : vector<1x128xf32> to vector<1024x128xf32>
    %add3A_11 = arith.addf %mul3A, %add3A_10 : vector<1024x128xf32>
    %max3A = arith.constant 0.000000e+00 : f32
    %max3A_12 = vector.broadcast %max3A : f32 to vector<1024x128xf32>
    %max3A_13 = arith.maximumf %add3A_11, %max3A_12 : vector<1024x128xf32>
    %get3A_14 = arith.constant 0 : index
    %get3A_15 = arith.constant 0 : index
    %get3A_16 = vector.load %arg5[%get3A_14, %get3A_15] : memref<128x128xf32, #tpu.memory_space<vmem>>, vector<128x128xf32>
    %dot_general3A = arith.constant dense<0.000000e+00> : vector<1024x128xf32>
    %dot_general3A_17 = tpu.matmul %max3A_13, %get3A_16, %dot_general3A {dimension_numbers = #tpu.dot_dimension_numbers<[1], [0], [0], [1], [0, 0, 1, 1], [], []>, transpose_lhs_hint = false} : vector<1024x128xf32>, vector<128x128xf32>, vector<1024x128xf32> -> vector<1024x128xf32>
    %get3A_18 = arith.constant 0 : index
    %get3A_19 = arith.constant 0 : index
    %get3A_20 = vector.load %arg3[%get3A_18, %get3A_19] : memref<1024x128xf32, #tpu.memory_space<vmem>>, vector<1024x128xf32>
    %mul3A_21 = arith.mulf %dot_general3A_17, %get3A_20 : vector<1024x128xf32>
    %swap3A = arith.constant 0 : index
    %swap3A_22 = arith.constant 0 : index
    %swap3A_23 = vector.load %arg6[%swap3A, %swap3A_22] : memref<1024x128xf32, #tpu.memory_space<vmem>>, vector<1024x128xf32>
    tpu.vector_store %arg6[%swap3A, %swap3A_22], %mul3A_21 {strides = array<i32>} : memref<1024x128xf32, #tpu.memory_space<vmem>>, vector<1024x128xf32>,
    return
  }
  func.func @transform_0(%arg0: i32) -> (i32, i32) {
    %c0_i32 = arith.constant 0 : i32
    %c0_i32_0 = arith.constant 0 : i32
    return %arg0, %c0_i32 : i32, i32
  }
  func.func @transform_1(%arg0: i32) -> (i32, i32) {
    %c0_i32 = arith.constant 0 : i32
    %c0_i32_0 = arith.constant 0 : i32
    return %arg0, %c0_i32 : i32, i32
  }
  func.func @transform_2(%arg0: i32) -> (i32, i32) {
    %c0_i32 = arith.constant 0 : i32
    %c0_i32_0 = arith.constant 0 : i32
    return %arg0, %c0_i32 : i32, i32
  }
  func.func @transform_3(%arg0: i32) -> i32 {
    %c0_i32 = arith.constant 0 : i32
    %c0_i32_0 = arith.constant 0 : i32
    return %c0_i32 : i32
  }
  func.func @transform_4(%arg0: i32) -> (i32, i32) {
    %c0_i32 = arith.constant 0 : i32
    %c0_i32_0 = arith.constant 0 : i32
    %c0_i32_1 = arith.constant 0 : i32
    return %c0_i32, %c0_i32_0 : i32, i32
  }
  func.func @transform_5(%arg0: i32) -> (i32, i32) {
    %c0_i32 = arith.constant 0 : i32
    %c0_i32_0 = arith.constant 0 : i32
    return %arg0, %c0_i32 : i32, i32
  }
}

module attributes {stable_mosaic.version = 14 : i64} {
  func.func @_tcf_body(%arg0: i32, %arg1: memref<1024x128xf32, #tpu.memory_space<vmem>>, %arg2: memref<1024x128xf32, #tpu.memory_space<vmem>>, %arg3: memref<128xf32, #tpu.memory_space<vmem>>, %arg4: memref<1024x128xf32, #tpu.memory_space<vmem>>) attributes {dimension_semantics = [#tpu.dimension_semantics<arbitrary>], iteration_bounds = array<i64: 10>, scalar_prefetch = 0 : i64, scratch_operands = 0 : i64, tpu.core_type = #tpu.core_type<tc>, window_params = [{transform_indices = @transform_0, window_bounds = array<i64: 1024, 128>}, {transform_indices = @transform_1, window_bounds = array<i64: 1024, 128>}, {pipeline_mode = #tpu.pipeline_mode<synchronous>, transform_indices = @transform_2, window_bounds = array<i64: 128>}, {transform_indices = @transform_3, window_bounds = array<i64: 1024, 128>}]} {
    %get3A = arith.constant 0 : index
    %get3A_0 = arith.constant 0 : index
    %get3A_1 = vector.load %arg1[%get3A, %get3A_0] : memref<1024x128xf32, #tpu.memory_space<vmem>>, vector<1024x128xf32>
    %get3A_2 = arith.constant 0 : index
    %get3A_3 = arith.constant 0 : index
    %get3A_4 = vector.load %arg2[%get3A_2, %get3A_3] : memref<1024x128xf32, #tpu.memory_space<vmem>>, vector<1024x128xf32>
    %div3A = arith.divf %get3A_1, %get3A_4 : vector<1024x128xf32>
    %get3A_5 = arith.constant 0 : index
    %get3A_6 = vector.load %arg3[%get3A_5] : memref<128xf32, #tpu.memory_space<vmem>>, vector<128xf32>
    %broadcast_in_dim3A = vector.shape_cast %get3A_6 : vector<128xf32> to vector<1x128xf32>
    %add3A = vector.broadcast %broadcast_in_dim3A : vector<1x128xf32> to vector<1024x128xf32>
    %add3A_7 = arith.addf %div3A, %add3A : vector<1024x128xf32>
    %max3A = arith.constant 0.000000e+00 : f32
    %max3A_8 = vector.broadcast %max3A : f32 to vector<1024x128xf32>
    %max3A_9 = arith.maximumf %add3A_7, %max3A_8 : vector<1024x128xf32>
    %swap3A = arith.constant 0 : index
    %swap3A_10 = arith.constant 0 : index
    %swap3A_11 = vector.load %arg4[%swap3A, %swap3A_10] : memref<1024x128xf32, #tpu.memory_space<vmem>>, vector<1024x128xf32>
    tpu.vector_store %arg4[%swap3A, %swap3A_10], %max3A_9 {strides = array<i32>} : memref<1024x128xf32, #tpu.memory_space<vmem>>, vector<1024x128xf32>,
    return
  }
  func.func @transform_0(%arg0: i32) -> (i32, i32) {
    %c0_i32 = arith.constant 0 : i32
    %c0_i32_0 = arith.constant 0 : i32
    return %arg0, %c0_i32 : i32, i32
  }
  func.func @transform_1(%arg0: i32) -> (i32, i32) {
    %c0_i32 = arith.constant 0 : i32
    %c0_i32_0 = arith.constant 0 : i32
    return %arg0, %c0_i32 : i32, i32
  }
  func.func @transform_2(%arg0: i32) -> i32 {
    %c0_i32 = arith.constant 0 : i32
    %c0_i32_0 = arith.constant 0 : i32
    return %c0_i32 : i32
  }
  func.func @transform_3(%arg0: i32) -> (i32, i32) {
    %c0_i32 = arith.constant 0 : i32
    %c0_i32_0 = arith.constant 0 : i32
    return %arg0, %c0_i32 : i32, i32
  }
}

</mosaic_0001>

<sc_bundles>
// kernel: closed_call.9.cloned.1.call-start
scs
__scs_entry_jumppad:
0x0: {  	(pc) =	sbr.rel $0x88, $3  }
0x1: {  	(tag) =	ssettag $0x0;
	lr =	simm.s32 $0x1  }
0x2: {  	[smem:$0x3F99] =	sst lr;
	_ =	strace $0xD0000000  }
0x3: {  	_ = 	snop  }
0x4: {  	_ = 	snop  }
0x5: {  	_ = 	snop  }
0x6: {  	_ = 	snop  }
0x7: {  	_ = 	snop  }
__scs_overlays_trampoline_lowered:
0x8: {  	[smem:$0x3FA8] =	sst s0  }
0x9: {  	[smem:$0x3FA9] =	sst s1  }
0xa: {  	[smem:$0x3FAA] =	sst s2  }
0xb: {  	[smem:$0x3FAB] =	sst s3  }
0xc: {  	[smem:$0x3FAC] =	sst s4  }
0xd: {  	[smem:$0x3FAD] =	sst s5  }
0xe: {  	[smem:$0x3FAE] =	sst s6  }
0xf: {  	[smem:$0x3FAF] =	sst s7  }
0x10: {  	[smem:$0x3FB0] =	sst s8  }
0x11: {  	[smem:$0x3FB1] =	sst s9;
	s0 =	simm.s32 @!p0 $0x0  }
0x12: {  	s1 =	sld [smem:$0x3F97];
	s0 =	simm.s32 @p0 $0x1  }
0x13: {  	[smem:$0x3FB2] =	sst s0;
	s0 =	simm.s32 @!p1 $0x0  }
0x14: {  	s2 =	sld [smem:$0x3F96];
	s0 =	simm.s32 @p1 $0x1  }
0x15: {  	[smem:$0x3FB3] =	sst s0;
	s0 =	simm.s32 @!p2 $0x0  }
0x16: {  	s3 =	sld [smem:$0x3FDB];
	s0 =	simm.s32 @p2 $0x1  }
0x17: {  	s4 =	simm.s32 $0x1BF5;
	[smem:$0x3FB5] =	sst s0  }
0x18: {  	s0 =	sld [smem:$0x3F98];
	_ =	swait.ge [sflag:s4], $0x0  }
0x19: {  	s7 =	sld [smem:$0x3F99]  }
0x1a: {  	s8 =	sadd.s32 $0xFFFFE003, lr  }
0x1b: {  	s9 =	sadd.s32 $0xFFFFFEF7, lr;
	s5 =	simm.s32 $0xFFFFFFFF;
	p2 =	slt.u32 s8, $0xFFFFF086  }
0x1c: {  	p1 =	slt.u32 s9, $0xF7A;
	s5 =	simm.s32 @!p2 $0x0  }
0x1d: {  	s5 =	simm.s32 @p1 $0x1;
	p0 =	seq.s32 s7, s2  }
0x1e: {  	s7 =	smul.u32 @!p0 $0xF7A, s2;
	p2 =	seq.s32 @!p0 s5, $0x0  }
0x1f: {  	s9 =	smul.u32 $0xF7A, s1;
	s8 =	simm.s32 @!p0 $0x1BF5;
	p2 =	por !p2, p0  }
0x20: {  	[sflag:s8] =	ssyncset.s32 @!p0 $0xFFFFF086;
	s6 =	sadd.s32 @!p0 s3, s7;
	s7 =	simm.s32 @!p0 $0x108  }
0x21: {  	s3 =	sadd.s32 s3, s9;
	s6 =	sadd.s32 @!p0 $0x88, s6;
	s7 =	simm.s32 @p2 $0x1082  }
0x22: {  	[simem:s7], [sflag:s8] =	dma.local @!p0 [hbm:s6], $0xF7A  }
0x23: {  	s9 =	sor.u32 $0xD0000000, s2;
	s6 =	simm.s32 $0x108;
	_ =	swait.ge @!p0 [sflag:s8], $0x0  }
0x24: {  	s3 =	sadd.s32 $0x88, s3;
	s6 =	simm.s32 @!p1 $0x1082;
	[sflag:s4] =	ssyncset.s32 $0xFFFFF086  }
0x25: {  	[simem:s6], [sflag:s4] =	dma.local [hbm:s3], $0xF7A  }
0x26: {  	[smem:$0x3F99] =	sst s1;
	(tag) =	ssettag s2;
	_ =	strace s9  }
0x27: {  	s1 =	sld [smem:$0x3FA9]  }
0x28: {  	s2 =	sld [smem:$0x3FAA]  }
0x29: {  	s4 =	sld [smem:$0x3FAC]  }
0x2a: {  	p0 =	seq.s32 s5, $0x0;
	s5 =	sld [smem:$0x3FAD]  }
0x2b: {  	s6 =	sld [smem:$0x3FAE]  }
0x2c: {  	s7 =	sld [smem:$0x3FAF]  }
0x2d: {  	s3 =	simm.s32 $0x108;
	s8 =	sld [smem:$0x3FB0]  }
0x2e: {  	s3 =	simm.s32 @!p0 $0x1082;
	s9 =	sld [smem:$0x3FB1]  }
0x2f: {  	lr =	sadd.s32 s0, s3;
	s0 =	sld [smem:$0x3FA8]  }
0x30: {  	s3 =	sld [smem:$0x3FAB]  }
0x31: {  	[smem:$0x3FB4] =	sst s10  }
0x32: {  	s10 =	sld [smem:$0x3FB2];
	_ =	sdelay $0x3  }
0x33: {  	p0 =	seq.s32 s10, $0x1;
	s10 =	sld [smem:$0x3FB4];
	_ =	sdelay $0x3  }
0x34: {  	[smem:$0x3FB4] =	sst s10  }
0x35: {  	s10 =	sld [smem:$0x3FB3];
	_ =	sdelay $0x3  }
0x36: {  	p1 =	seq.s32 s10, $0x1;
	s10 =	sld [smem:$0x3FB4];
	_ =	sdelay $0x3  }
0x37: {  	[smem:$0x3FB4] =	sst s10  }
0x38: {  	s10 =	sld [smem:$0x3FB5]  }
0x39: {  	_ = 	snop;
	(pc) =	sbr.ind lr, $3  }
0x3a: {  	_ = 	snop  }
0x3b: {  	_ = 	snop  }
0x3c: {  	p2 =	seq.s32 s10, $0x1;
	s10 =	sld [smem:$0x3FB4]  }
0x3d: {  	_ =	shalt  }
0x3e: {  	_ =	shalt  }
0x3f: {  	_ =	shalt  }
0x40: {  	_ =	shalt  }
0x41: {  	_ =	shalt  }
0x42: {  	_ =	shalt  }
0x43: {  	_ =	shalt  }
0x44: {  	_ =	shalt  }
0x45: {  	_ =	shalt  }
0x46: {  	_ =	shalt  }
0x47: {  	_ =	shalt  }
0x48: {  	_ =	shalt  }
0x49: {  	_ =	shalt  }
0x4a: {  	_ =	shalt  }
0x4b: {  	_ =	shalt  }
0x4c: {  	_ =	shalt  }
0x4d: {  	_ =	shalt  }
0x4e: {  	_ =	shalt  }
0x4f: {  	_ =	shalt  }
0x50: {  	_ =	shalt  }
0x51: {  	_ =	shalt  }
0x52: {  	_ =	shalt  }
0x53: {  	_ =	shalt  }
0x54: {  	_ =	shalt  }
0x55: {  	_ =	shalt  }
0x56: {  	_ =	shalt  }
0x57: {  	_ =	shalt  }
0x58: {  	_ =	shalt  }
0x59: {  	_ =	shalt  }
0x5a: {  	_ =	shalt  }
0x5b: {  	_ =	shalt  }
0x5c: {  	_ =	shalt  }
0x5d: {  	_ =	shalt  }
0x5e: {  	_ =	shalt  }
0x5f: {  	_ =	shalt  }
0x60: {  	_ =	shalt  }
0x61: {  	_ =	shalt  }
0x62: {  	_ =	shalt  }
0x63: {  	_ =	shalt  }
0x64: {  	_ =	shalt  }
0x65: {  	_ =	shalt  }
0x66: {  	_ =	shalt  }
0x67: {  	_ =	shalt  }
0x68: {  	_ =	shalt  }
0x69: {  	_ =	shalt  }
0x6a: {  	_ =	shalt  }
0x6b: {  	_ =	shalt  }
0x6c: {  	_ =	shalt  }
0x6d: {  	_ =	shalt  }
0x6e: {  	_ =	shalt  }
0x6f: {  	_ =	shalt  }
0x70: {  	_ =	shalt  }
0x71: {  	_ =	shalt  }
0x72: {  	_ =	shalt  }
0x73: {  	_ =	shalt  }
0x74: {  	_ =	shalt  }
0x75: {  	_ =	shalt  }
0x76: {  	_ =	shalt  }
0x77: {  	_ =	shalt  }
0x78: {  	_ =	shalt  }
0x79: {  	_ =	shalt  }
0x7a: {  	_ =	shalt  }
0x7b: {  	_ =	shalt  }
0x7c: {  	_ =	shalt  }
0x7d: {  	_ =	shalt  }
0x7e: {  	_ =	shalt  }
0x7f: {  	_ =	shalt  }
0x80: {  	_ =	shalt  }
0x81: {  	_ =	shalt  }
0x82: {  	_ =	shalt  }
0x83: {  	_ =	shalt  }
0x84: {  	_ =	shalt  }
0x85: {  	_ =	shalt  }
0x86: {  	_ =	shalt  }
0x87: {  	_ =	shalt  }
.Lfunc_end0:
.L_simem_size_0:
called_computation_lowered:
.L_overlay_start_0:
0x88: {  	s2 =	sld [smem:$0x3FD9]  }
0x89: {  	s3 =	sld [smem:$0x3FFE];
	_ =	sdelay $0x1  }
0x8a: {  	s1 =	srdreg.scid  }
0x8b: {  	s0 =	sand.u32 $0x1, s1  }
0x8c: {  	s17 =	sshll.u32 s0, $0xA;
	s2 =	sadd.s32 s3, s2  }
0x8d: {  	s2 =	sadd.s32 s2, s17  }
0x8e: {  	[smem:$0x3FC0] =	sst s2  }
0x8f: {  	_ = 	snop  }
0x90: {  	s2 =	sld [smem:$0x3FD0];
	(tm) =	ssettm $0x1  }
0x91: {  	s18 =	sld [smem:$0x3FFB];
	_ =	sdelay $0x3  }
0x92: {  	_ =	strace s18  }
0x93: {  	s3 =	sld [smem:$0x3FFC];
	_ =	sdelay $0x3  }
0x94: {  	_ =	strace s3  }
0x95: {  	s3 =	sld [smem:$0x3FFD];
	_ =	sdelay $0x3  }
0x96: {  	_ =	strace s3  }
0x97: {  	_ =	strace $0x8FFFFFFF  }
0x98: {  	s19 =	sld [smem:$0x3FDB];
	_ =	sdelay $0x1  }
0x99: {  	s4 =	simm.s32 $_scs_section_size  }
0x9a: {  	s5 =	simm.s32 $_size__tile_overlayer_lowered;
	s6 =	simm.s32 $_tile_overlayer_lowered  }
0x9b: {  	s22 =	simm.s32 $0x1BFF;
	s21 =	sshll.u32 s6, $0x1;
	s3 =	sadd.s32 s4, s19  }
0x9c: {  	s7 =	simm.s32 $0x0;
	s20 =	sshll.u32 s5, $0x1;
	s5 =	sadd.s32 s21, s3  }
0x9d: {  	[timem:s7], [sflag:s22] =	dma.local [hbm:s5], s20  }
0x9e: {  	_ =	swait.ge [sflag:s22], s20  }
0x9f: {  	s4 =	ssub.s32 $0x0, s20;
	[sflag:s22] =	ssyncset.done $0x0  }
0xa0: {  	[sflag:s22] =	ssyncadd.s32 s4;
	_ =	sdelay $0x1  }
0xa1: {  	s23 =	simm.s32 $0x1B8B  }
0xa2: {  	_ =	swait.ge [sflag:s23], $0x1  }
0xa3: {  	[sflag:s23] =	ssyncset.done $0x0  }
0xa4: {  	s25 =	simm.s32 $0x1B8E;
	s24 =	sld [smem:$0x3FFE];
	[sflag:s23] =	ssyncadd.s32 $0xFFFFFFFF  }
0xa5: {  	s26 =	simm.s32 $execute0_lowered;
	[smem:$0x3FD2] =	sst s25  }
0xa6: {  	s5 =	sshll.u32 s26, $0x1;
	_ =	strace $0x80000049;
	[dreg:$0x1] =	wrdreg $0xFFFFFFFF  }
0xa7: {  	s28 =	simm.s32 $_size_execute0_lowered;
	s3 =	sadd.s32 s3, s5;
	[dreg:$0x0] =	wrdreg $0x0  }
0xa8: {  	s5 =	sshll.u32 s28, $0x1;
	[dreg:$0x2] =	wrdreg s3  }
0xa9: {  	[dreg:$0x3] =	wrdreg s5  }
0xaa: {  	[dreg:$0x4] =	wrdreg $0xC0  }
0xab: {  	_ =	task [dreg:s7], $0x5FFFF  }
0xac: {  	[dreg:$0x1] =	wrdreg $0xFFFFFFFF  }
0xad: {  	[dreg:$0x0] =	wrdreg $0x60  }
0xae: {  	[dreg:$0x2] =	wrdreg s24  }
0xaf: {  	[dreg:$0x3] =	wrdreg s2  }
0xb0: {  	[dreg:$0x4] =	wrdreg $0x125000  }
0xb1: {  	[dreg:$0x5] =	wrdreg $0x9  }
0xb2: {  	_ =	task.clear_ibuf [dreg:s7], $0x6FFFF;
	_ =	strace $0x90000049  }
0xb3: {  	s29 =	simm.s32 $0x9;
	_ =	strace $0x8000004B  }
0xb4: {  	_ =	swait.ge [sflag:s29], $0x1  }
0xb5: {  	[sflag:s29] =	ssyncadd.s32 $0xFFFFFFFF  }
0xb6: {  	_ =	strace $0x9000004B  }
0xb7: {  	_ =	sfence  }
0xb8: {  	s30 =	sld [smem:$0x0];
	_ =	sdelay $0x2  }
0xb9: {  	s31 =	sshll.u32 s1, $0xD;
	s1 =	sshrl.u32 s1, $0x2  }
0xba: {  	s3 =	sand.u32 $0x4000, s31;
	s1 =	sadd.s32 s1, s30  }
0xbb: {  	s0 =	sor.u32 s3, s0;
	s1 =	sshll.u32 s1, $0x11  }
0xbc: {  	s0 =	sor.u32 s1, s0  }
0xbd: {  	s0 =	sadd.s32 $0x8F2B, s0  }
0xbe: {  	[sflag:s0] =	ssyncadd.remote.s32 $0x1  }
0xbf: {  	_ =	sfence.sel $0xFFFF  }
0xc0: {  	[dreg:$0x0] =	wrdreg $0xFFFFFFFF;
	(pc) =	sbr.abs _section_cstart, $3  }
0xc1: {  	[dreg:$0x1] =	wrdreg $0xFFFFFFFF  }
0xc2: {  	_ =	task.clear_ibuf [dreg:s7], $0x2FFFF;
	_ =	strace $0x9FFFFFFF  }
0xc3: {  	(tm) =	ssettm $0x7FFFFFFF  }
tec
execute0_lowered:
.L_overlay_start_1:
0x0: {  	(tag) =	ssettag $0x1  }
0x1: {  	s0 =	rddreg [dreg:$0x0]  }
0x2: {  	s2 =	rddreg [dreg:$0x1]  }
0x3: {  	s1 =	rddreg [dreg:$0x2];
	s3 =	srdreg.scid  }
0x4: {  	s12 =	stileid.u32;
	s13 =	simm.s32 $0x5;
	s14 =	simm.s32 $0x5180  }
0x5: {  	s15 =	simm.s32 $0x1;
	s16 =	simm.s32 $0xA500;
	s17 =	simm.s32 $0xA300  }
0x6: {  	s18 =	simm.s32 $0xA380;
	s19 =	simm.s32 $0xE500;
	s20 =	simm.s32 $0xA400  }
0x7: {  	s22 =	simm.s32 $0xA480;
	s23 =	simm.s32 $0x3;
	s24 =	simm.s32 $0x4  }
0x8: {  	s26 =	simm.s32 $0x0;
	s7 =	sand.u32 $0x1, s3;
	s5 =	smul.u32 $0xA000, s12  }
0x9: {  	s3 =	simm.s32 $0x0;
	s8 =	smul.u32 $0x1440, s12;
	s29 =	ssub.s32 $0x38, s12  }
0xa: {  	s11 =	smul.u32 $0x28000, s12;
	s30 =	sshll.u32 s12, $0xE;
	s12 =	simm.s32 $0x100  }
0xb: {  	s4 =	smul.u32 $0xA0000, s7;
	[smem:$0x7FF] =	sst s3;
	s6 =	ssub.s32 $0x2, s7  }
0xc: {  	s21 =	smul.u32 $0xFFFFEC00, s7;
	s7 =	sshrl.u32 s29, $0x4;
	_ =	strace $0x8000004A  }
0xd: {  	s9 =	sshrl.u32 s6, $0x1;
	s31 =	sshrl.u32 s11, $0x2;
	s11 =	simm.s32 $0x80  }
.Ltmp0:
0xe: {  	s5 =	sadd.s32 s5, s4;
	s4 =	sadd.s32 $0xCA00, s0;
	(pc) =	sbr.rel .LBB2_1-.Ltmp0, $4  }
0xf: {  	s10 =	ssub.s32 s6, s9;
	v0 =	vmov s21;
	s21 =	simm.s32 $0x2;
	s5 =	sshrl.u32 s5, $0x3  }
0x10: {  	s10 =	smax.u32 s10, $0x1;
	s0 =	sadd.s32 s5, s0;
	s5 =	sadd.s32 s2, s8  }
0x11: {  	v1 =	vlaneseq.u32;
	s2 =	sadd.s32 $0x10, s5;
	s9 =	sadd.s32 $0x34A00, s0;
	s0 =	sadd.s32 s31, s1  }
0x12: {  	v2 =	vimm.s32 $0x0;
	v4 =	vimm.f32 $0.0e+00;
	v3 =	vor.u32 $0x5100, v1;
	s8 =	sadd.s32 s30, s1;
	[dreg:$0x4] =	wrdreg s2;
	s25 =	sshrl.u32 s0, $0x3  }
.LBB2_14:
0x13: {  	[sflag:s24] =	ssyncadd.s32 $0xFFFFC000  }
.LBB2_15:
0x14: {  	s0 =	stileid.u32;
	s26 =	sadd.s32 $0x1, s26  }
0x15: {  	s0 =	sshll.u32 s0, $0x6;
	p0 =	sne.s32 s26, s10  }
.Ltmp1:
0x16: {  	[bflag:$0x0] =	sbarrier.arrive $0xFFFF;
	s0 =	sor.u32 $0x1C05, s0;
	(pc) =	sbr.rel @!p0 .LBB2_16-.Ltmp1, $4  }
0x17: {  	[hbm:s9], [sflag:s0] =	dma.local [spmem:s25], $0x1400  }
0x18: {  	_ =	swait.ge [sflag:s13], $0x1400  }
0x19: {  	[sflag:s13] =	ssyncset.done $0x0  }
0x1a: {  	[sflag:s13] =	ssyncadd.s32 $0xFFFFEC00  }
.LBB2_1:
0x1b: {  	[tilespmem:s3], [sflag:$0x5] =	stream.strided.gather [hbm4b:s5+s11], $0x5100, s12, s11, $0x38;
	[tilespmem:$0x1C900] =	vst v63  }
0x1c: {  	_ =	swait.ge [sflag:s13], $0x5100  }
0x1d: {  	[sflag:s13] =	ssyncset.done $0x0  }
0x1e: {  	s0 =	rddreg [dreg:$0x4];
	[sflag:s13] =	ssyncadd.s32 $0xFFFFAF00  }
0x1f: {  	[tilespmem:s14], [sflag:$0x5] =	stream.strided.gather [hbm4b:s0+s11], $0x5100, s12, s11, $0x38;
	[tilespmem:$0x1C900] =	vst v63  }
0x20: {  	_ =	swait.ge [sflag:s13], $0x5100  }
0x21: {  	[sflag:s13] =	ssyncset.done $0x0  }
0x22: {  	s31 =	simm.s32 $0x0;
	[sflag:s13] =	ssyncadd.s32 $0xFFFFAF00  }
0x23: {  	v5 =	vld [tilespmem:s31+$0x5180];
	_ =	sdelay $0x4  }
0x24: {  	v5 =	vadd.s32 v0, v5  }
0x25: {  	vm0 =	vlt.u32 v5, $0x1400  }
0x26: {  	v6 =	vsel vm0, $0x1, v2  }
0x27: {  	(xrf0) =	vadd.scan.msk.s32 $0xffff, v6;
	_ =	sdelay $0x5  }
0x28: {  	v7, _, _ =	vpop (xrf0)  }
0x29: {  	v6 =	vmov s3;
	v8 =	vxor.u32 $0x80000000, v7  }
0x2a: {  	v6 =	vadd.s32 $0xFFFFFFFF, v6;
	(xrf0) =	vmax.scan.msk.u32 $0xffff, v8  }
0x2b: {  	v6 =	vbroadcast v6, $0x0;
	_ =	sdelay $0x1  }
0x2c: {  	v6 =	vadd.s32 v7, v6  }
0x2d: {  	v7 =	vld [tilespmem:s31+$0x0];
	v6 =	vsel vm0, v6, v3;
	_ =	sdelay $0x1  }
0x2e: {  	v8, _, _ =	vpop (xrf0)  }
0x2f: {  	(v2sf) =	vpush v8, $0xF;
	_ =	sdelay $0x1  }
0x30: {  	[tilespmem:v6+s3+$0x0] =	vst.idx.msk $0xffff, v7  }
0x31: {  	s28 =	simm.s32 $0x10;
	s30 =	simm.s32 $0x80;
	s29 =	simm.s32 $0x0;
	[tilespmem:v6+s14+$0x0] =	vst.idx.msk $0xffff, v5  }
.LBB2_2:
0x32: {  	p0 =	sne.s32 s30, $0x143C0;
	v5 =	vld [tilespmem:s28+$0x5180];
	_ =	sdelay $0x4  }
0x33: {  	v5 =	vadd.s32 v0, v5  }
0x34: {  	vm0 =	vlt.u32 v5, $0x1400  }
0x35: {  	v6 =	vsel vm0, $0x1, v2  }
0x36: {  	(xrf0) =	vadd.scan.msk.s32 $0xffff, v6;
	_ =	sdelay $0x2  }
0x37: {  	s0 =	spop (v2sf)  }
0x38: {  	s0 =	sadd.s32 s0, s29  }
0x39: {  	s29 =	sadd.s32 $0x80000000, s0  }
0x3a: {  	v6 =	vmov s29;
	v7, _, _ =	vpop (xrf0)  }
0x3b: {  	v6 =	vadd.s32 $0xFFFFFFFF, v6;
	v8 =	vxor.u32 $0x80000000, v7  }
0x3c: {  	v6 =	vbroadcast v6, $0x0;
	(xrf0) =	vmax.scan.msk.u32 $0xffff, v8;
	_ =	sdelay $0x1  }
0x3d: {  	v6 =	vadd.s32 v7, v6  }
0x3e: {  	v7 =	vld [tilespmem:s28+$0x0];
	v6 =	vsel vm0, v6, v3;
	_ =	sdelay $0x2  }
.Ltmp2:
0x3f: {  	v8, _, _ =	vpop (xrf0);
	(pc) =	sbr.rel @p0 .LBB2_2-.Ltmp2, $4  }
0x40: {  	(v2sf) =	vpush v8, $0xF  }
0x41: {  	[tilespmem:v6+s3+$0x0] =	vst.idx.msk $0xffff, v7  }
0x42: {  	[tilespmem:v6+s14+$0x0] =	vst.idx.msk $0xffff, v5  }
0x43: {  	s28 =	sshra.s32 s30, $0x2;
	s30 =	sadd.s32 $0x40, s30  }
0x44: {  	v5 =	vld [tilespmem:s28+$0x5180];
	_ =	sdelay $0x4  }
0x45: {  	v5 =	vadd.s32 v0, v5  }
0x46: {  	vm0 =	vlt.u32 v5, $0x1400  }
0x47: {  	v6 =	vsel vm0, $0x1, v2  }
0x48: {  	(xrf0) =	vadd.scan.msk.s32 $0xffff, v6;
	_ =	sdelay $0x5  }
0x49: {  	v6, _, _ =	vpop (xrf0)  }
0x4a: {  	v7 =	vxor.u32 $0x80000000, v6  }
0x4b: {  	(xrf0) =	vmax.scan.msk.u32 $0xffff, v7;
	_ =	sdelay $0x5  }
0x4c: {  	v7, _, _ =	vpop (xrf0)  }
0x4d: {  	(v2sf) =	vpush v7, $0xF;
	_ =	sdelay $0xc  }
0x4e: {  	s0 =	spop (v2sf)  }
0x4f: {  	s0 =	sadd.s32 s0, s29  }
0x50: {  	s0 =	sadd.s32 $0x80000000, s0;
	s2 =	spop (v2sf)  }
0x51: {  	s2 =	sadd.s32 s2, s0  }
0x52: {  	s2 =	sadd.s32 $0x80000000, s2  }
0x53: {  	s6 =	sadd.s32 $0xFF, s2  }
0x54: {  	s30 =	sand.u32 $0xFF, s6  }
0x55: {  	p1 =	slt.s32 s6, $0x1;
	p0 =	sne.s32 s30, $0x0;
	s30 =	sshra.s32 s6, $0x1F  }
0x56: {  	s30 =	sshrl.u32 s30, $0x18;
	p0 =	por !p1, !p0  }
0x57: {  	s29 =	sadd.s32 s30, s6;
	p0 =	por !p0, !p0;
	s30 =	simm.s32 $0x1  }
0x58: {  	v7 =	vmov s0;
	s29 =	sshra.s32 s29, $0x8;
	s30 =	simm.s32 @!p0 $0x0  }
0x59: {  	v7 =	vadd.s32 $0xFFFFFFFF, v7;
	s30 =	ssub.s32 s29, s30  }
0x5a: {  	v7 =	vbroadcast v7, $0x0;
	s29 =	sshll.u32 s30, $0x8  }
0x5b: {  	p0 =	sge.s32 s2, s29  }
0x5c: {  	v8 =	vld [tilespmem:s28+$0x0];
	v6 =	vadd.s32 v6, v7;
	s28 =	sand.u32 $0xF, s2;
	p2 =	slt.s32 s2, $0x1;
	v7 =	vlaneseq.u32 @!p0  }
0x5d: {  	p6 =	sne.s32 s28, $0x0;
	s28 =	sshra.s32 s2, $0x1F;
	s0 =	sadd.s32 @!p0 $0xFFFFFFFF, s29;
	v7 =	vadd.s32 @!p0 s2, v7  }
0x5e: {  	v6 =	vsel vm0, v6, v3;
	s31 =	sshrl.u32 s28, $0x1C;
	p1 =	por !p2, !p6;
	vm0 =	vlt.s32 @!p0 v7, s0  }
0x5f: {  	p1 =	por !p1, !p1;
	v7 =	vnsel @!p0 vm0, s0, v7;
	s0 =	sadd.s32 s31, s2;
	s2 =	simm.s32 $0x1  }
0x60: {  	s0 =	sshra.s32 s0, $0x4;
	s2 =	simm.s32 @!p1 $0x0  }
0x61: {  	s0 =	ssub.s32 s0, s2  }
0x62: {  	s28 =	sshra.s32 s29, $0x4;
	s2 =	sadd.s32 $0x1, s0  }
0x63: {  	p1 =	sge.s32 s2, s28  }
.Ltmp3:
0x64: {  	_ = 	snop;
	(pc) =	sbr.rel @p1 .LBB2_7-.Ltmp3, $4  }
0x65: {  	[tilespmem:v6+s3+$0x0] =	vst.idx.msk $0xffff, v8  }
0x66: {  	[tilespmem:v6+s14+$0x0] =	vst.idx.msk $0xffff, v5;
	v5 =	vimm.s32 @!p0 $0x0;
	s31 =	simm.s32 @!p0 $0x0;
	v6 =	vand.u32 @!p0 $0x7F, v7  }
0x67: {  	s29 =	simm.s32 @!p0 $0x5180;
	[tilespmem:v7+s31+$0x0] =	vst.idx.msk @!p0 $0xffff, v5;
	v5 =	vor.u32 @!p0 $0x1400, v6  }
0x68: {  	[tilespmem:v7+s29+$0x0] =	vst.idx.msk @!p0 $0xffff, v5  }
0x69: {  	s29 =	sadd.s32 $0x1, s2  }
0x6a: {  	p0 =	slt.s32 s29, s28  }
.Ltmp4:
0x6b: {  	_ = 	snop;
	(pc) =	sbr.rel @!p0 .LBB2_6-.Ltmp4, $4  }
0x6c: {  	s0 =	sshll.u32 s0, $0x6;
	s6 =	sshll.u32 s2, $0x4  }
0x6d: {  	s0 =	sshra.s32 s0, $0x2;
	v5 =	vor.u32 s6, v1  }
0x6e: {  	s31 =	sadd.s32 $0x10, s0;
	v5 =	vand.u32 $0x7F, v5  }
0x6f: {  	s2 =	sadd.s32 $0x10, s6;
	s0 =	sadd.s32 $0x5190, s0;
	[tilespmem:s31+$0x0] =	vst v2;
	v5 =	vor.u32 $0x1400, v5  }
.LBB2_5:
0x70: {  	s29 =	sadd.s32 $0x1, s29  }
0x71: {  	[tilespmem:s0+$0x0] =	vst v5;
	s31 =	sadd.s32 $0x10, s31;
	s0 =	sadd.s32 $0x10, s0;
	p0 =	slt.s32 s29, s28  }
.Ltmp5:
0x72: {  	(pc) =	sbr.rel @p0 .LBB2_5-.Ltmp5, $4  }
0x73: {  	_ = 	snop  }
0x74: {  	v5 =	vor.u32 s2, v1  }
0x75: {  	v5 =	vand.u32 $0x7F, v5  }
0x76: {  	s2 =	sadd.s32 $0x10, s2;
	v5 =	vor.u32 $0x1400, v5;
	[tilespmem:s31+$0x0] =	vst v2  }
.LBB2_6:
0x77: {  	[tilespmem:s0+$0x0] =	vst v5  }
.LBB2_7:
0x78: {  	s0 =	simm.s32 $0x0  }
0x79: {  	s2 =	sand.u32 $0xFE00, s0  }
0x7a: {  	s6 =	sand.u32 $0x70, s0;
	s28 =	sshrl.u32 s2, $0x2  }
0x7b: {  	s2 =	simm.s32 $0x40;
	s28 =	sor.u32 s6, s28  }
.LBB2_8:
0x7c: {  	p0 =	sne.s32 s2, $0xFFC0  }
0x7d: {  	[tilespmem:s28+$0xA500] =	vst v4;
	s0 =	sadd.s32 $0x10, s0;
	s6 =	smov.u32 s2;
	s2 =	sadd.s32 $0x40, s2  }
.Ltmp6:
0x7e: {  	(pc) =	sbr.rel @p0 .LBB2_8-.Ltmp6, $4  }
0x7f: {  	_ = 	snop  }
0x80: {  	s6 =	sand.u32 $0xFE00, s6  }
0x81: {  	s28 =	sand.u32 $0x70, s0;
	s6 =	sshrl.u32 s6, $0x2  }
0x82: {  	s28 =	sor.u32 s28, s6  }
0x83: {  	p0 =	sne.s32 s7, $0x1  }
.Ltmp7:
0x84: {  	_ = 	snop;
	(pc) =	sbr.rel @!p0 .LBB2_11-.Ltmp7, $4  }
0x85: {  	[tilespmem:s28+$0xA500] =	vst v4  }
0x86: {  	[spmem:s8] =	stream.linear.scatter [tilespmem:s16], [sflag:$0x5], $0x4000, $0x38;
	[tilespmem:$0x1C900] =	vst v63  }
0x87: {  	_ =	swait.ge [sflag:s13], $0x4000  }
0x88: {  	s0 =	sadd.s32 $0xFFFFFFFF, s7;
	s2 =	smov.u32 s8;
	[sflag:s13] =	ssyncset.done $0x0  }
.LBB2_10:
0x89: {  	p0 =	sne.s32 s0, $0x1;
	[sflag:s13] =	ssyncadd.s32 $0xFFFFC000;
	s2 =	sadd.s32 $0x40000, s2  }
.Ltmp8:
0x8a: {  	s0 =	sadd.s32 $0xFFFFFFFF, s0;
	(pc) =	sbr.rel @p0 .LBB2_10-.Ltmp8, $4  }
0x8b: {  	_ = 	snop  }
0x8c: {  	[spmem:s2] =	stream.linear.scatter [tilespmem:s16], [sflag:$0x5], $0x4000, $0x38;
	[tilespmem:$0x1C900] =	vst v63  }
0x8d: {  	_ =	swait.ge [sflag:s13], $0x4000  }
0x8e: {  	[sflag:s13] =	ssyncset.done $0x0  }
.LBB2_11:
0x8f: {  	p0 =	slt.s32 s30, $0x1  }
.Ltmp9:
0x90: {  	_ = 	snop;
	(pc) =	sbr.rel @p0 .LBB2_15-.Ltmp9, $3  }
0x91: {  	_ = 	snop  }
0x92: {  	[sflag:s13] =	ssyncadd.s32 $0xFFFFC000  }
0x93: {  	[bflag:$0x0] =	sbarrier.arrive $0xFFFF;
	_ =	sdelay $0x1  }
0x94: {  	s28 =	simm.s32 $0x80  }
0x95: {  	v5 =	vld [tilespmem:s28+$0xFFFFFF80];
	_ =	sdelay $0x4  }
0x96: {  	s29 =	simm.s32 $0x5200;
	[tilespmem:$0xA300] =	vst v5  }
0x97: {  	v5 =	vld [tilespmem:s29+$0xFFFFFF80];
	_ =	sdelay $0x4  }
0x98: {  	[tilespmem:$0xA400] =	vst v5  }
0x99: {  	v5 =	vld [tilespmem:s28+$0xFFFFFF90];
	_ =	sdelay $0x4  }
0x9a: {  	[tilespmem:$0xA310] =	vst v5  }
0x9b: {  	v5 =	vld [tilespmem:s29+$0xFFFFFF90];
	_ =	sdelay $0x4  }
0x9c: {  	[tilespmem:$0xA410] =	vst v5  }
0x9d: {  	v5 =	vld [tilespmem:s28+$0xFFFFFFA0];
	_ =	sdelay $0x4  }
0x9e: {  	[tilespmem:$0xA320] =	vst v5  }
0x9f: {  	v5 =	vld [tilespmem:s29+$0xFFFFFFA0];
	_ =	sdelay $0x4  }
0xa0: {  	[tilespmem:$0xA420] =	vst v5  }
0xa1: {  	v5 =	vld [tilespmem:s28+$0xFFFFFFB0];
	_ =	sdelay $0x4  }
0xa2: {  	[tilespmem:$0xA330] =	vst v5  }
0xa3: {  	v5 =	vld [tilespmem:s29+$0xFFFFFFB0];
	_ =	sdelay $0x4  }
0xa4: {  	[tilespmem:$0xA430] =	vst v5  }
0xa5: {  	v5 =	vld [tilespmem:s28+$0xFFFFFFC0];
	_ =	sdelay $0x4  }
0xa6: {  	[tilespmem:$0xA340] =	vst v5  }
0xa7: {  	v5 =	vld [tilespmem:s29+$0xFFFFFFC0];
	_ =	sdelay $0x4  }
0xa8: {  	[tilespmem:$0xA440] =	vst v5  }
0xa9: {  	v5 =	vld [tilespmem:s28+$0xFFFFFFD0];
	_ =	sdelay $0x4  }
0xaa: {  	[tilespmem:$0xA350] =	vst v5  }
0xab: {  	v5 =	vld [tilespmem:s29+$0xFFFFFFD0];
	_ =	sdelay $0x4  }
0xac: {  	[tilespmem:$0xA450] =	vst v5  }
0xad: {  	v5 =	vld [tilespmem:s28+$0xFFFFFFE0];
	_ =	sdelay $0x4  }
0xae: {  	[tilespmem:$0xA360] =	vst v5  }
0xaf: {  	v5 =	vld [tilespmem:s29+$0xFFFFFFE0];
	_ =	sdelay $0x4  }
0xb0: {  	[tilespmem:$0xA460] =	vst v5  }
0xb1: {  	v5 =	vld [tilespmem:s28+$0xFFFFFFF0];
	_ =	sdelay $0x4  }
0xb2: {  	[tilespmem:$0xA370] =	vst v5  }
0xb3: {  	v5 =	vld [tilespmem:s29+$0xFFFFFFF0];
	_ =	sdelay $0x4  }
0xb4: {  	[tilespmem:$0xA470] =	vst v5  }
0xb5: {  	v5 =	vld [tilespmem:s28+$0x0];
	_ =	sdelay $0x4  }
0xb6: {  	[tilespmem:$0xA380] =	vst v5  }
0xb7: {  	v5 =	vld [tilespmem:s29+$0x0];
	_ =	sdelay $0x4  }
0xb8: {  	[tilespmem:$0xA480] =	vst v5  }
0xb9: {  	v5 =	vld [tilespmem:s28+$0x10];
	_ =	sdelay $0x4  }
0xba: {  	[tilespmem:$0xA390] =	vst v5  }
0xbb: {  	v5 =	vld [tilespmem:s29+$0x10];
	_ =	sdelay $0x4  }
0xbc: {  	[tilespmem:$0xA490] =	vst v5  }
0xbd: {  	v5 =	vld [tilespmem:s28+$0x20];
	_ =	sdelay $0x4  }
0xbe: {  	[tilespmem:$0xA3A0] =	vst v5  }
0xbf: {  	v5 =	vld [tilespmem:s29+$0x20];
	_ =	sdelay $0x4  }
0xc0: {  	[tilespmem:$0xA4A0] =	vst v5  }
0xc1: {  	v5 =	vld [tilespmem:s28+$0x30];
	_ =	sdelay $0x4  }
0xc2: {  	[tilespmem:$0xA3B0] =	vst v5  }
0xc3: {  	v5 =	vld [tilespmem:s29+$0x30];
	_ =	sdelay $0x4  }
0xc4: {  	[tilespmem:$0xA4B0] =	vst v5  }
0xc5: {  	v5 =	vld [tilespmem:s28+$0x40];
	_ =	sdelay $0x4  }
0xc6: {  	[tilespmem:$0xA3C0] =	vst v5  }
0xc7: {  	v5 =	vld [tilespmem:s29+$0x40];
	_ =	sdelay $0x4  }
0xc8: {  	[tilespmem:$0xA4C0] =	vst v5  }
0xc9: {  	v5 =	vld [tilespmem:s28+$0x50];
	_ =	sdelay $0x4  }
0xca: {  	[tilespmem:$0xA3D0] =	vst v5  }
0xcb: {  	v5 =	vld [tilespmem:s29+$0x50];
	_ =	sdelay $0x4  }
0xcc: {  	[tilespmem:$0xA4D0] =	vst v5  }
0xcd: {  	v5 =	vld [tilespmem:s28+$0x60];
	_ =	sdelay $0x4  }
0xce: {  	[tilespmem:$0xA3E0] =	vst v5  }
0xcf: {  	v5 =	vld [tilespmem:s29+$0x60];
	_ =	sdelay $0x4  }
0xd0: {  	[tilespmem:$0xA4E0] =	vst v5  }
0xd1: {  	v5 =	vld [tilespmem:s28+$0x70];
	_ =	sdelay $0x4  }
0xd2: {  	[tilespmem:$0xA3F0] =	vst v5  }
0xd3: {  	v5 =	vld [tilespmem:s29+$0x70];
	_ =	sdelay $0x4  }
0xd4: {  	[tilespmem:$0xA4F0] =	vst v5  }
0xd5: {  	[tilespmem:s16], [sflag:$0x1] =	stream.indirect.gather [hbm4b:s4+s11], $0x80, s17, s11, $0xb8;
	[tilespmem:$0x1C900] =	vst v63  }
0xd6: {  	_ = 	snop  }
0xd7: {  	[tilespmem:s19], [sflag:$0x2] =	stream.indirect.gather [hbm4b:s4+s11], $0x80, s18, s11, $0xb8;
	[tilespmem:$0x1C900] =	vst v63  }
0xd8: {  	_ =	swait.ge [sflag:s15], $0x4000  }
0xd9: {  	[sflag:s15] =	ssyncset.done $0x0  }
0xda: {  	[sflag:s15] =	ssyncadd.s32 $0xFFFFC000  }
0xdb: {  	[spmem:s1] =	stream.indirect.scatter.add.f32 [tilespmem:s16], [sflag:$0x3], $0x80, s20, s11, $0xb8;
	[tilespmem:$0x1C900] =	vst v63  }
0xdc: {  	_ =	swait.ge [sflag:s21], $0x4000  }
0xdd: {  	[sflag:s21] =	ssyncset.done $0x0  }
0xde: {  	p0 =	sne.s32 s30, $0x1;
	[sflag:s21] =	ssyncadd.s32 $0xFFFFC000  }
0xdf: {  	[spmem:s1] =	stream.indirect.scatter.add.f32 [tilespmem:s19], [sflag:$0x4], $0x80, s22, s11, $0xb8;
	[tilespmem:$0x1C900] =	vst v63  }
.Ltmp10:
0xe0: {  	_ =	swait.ge [sflag:s23], $0x4000;
	(pc) =	sbr.rel @!p0 .LBB2_14-.Ltmp10, $4  }
0xe1: {  	[sflag:s23] =	ssyncset.done $0x0  }
0xe2: {  	[sflag:s23] =	ssyncadd.s32 $0xFFFFC000  }
0xe3: {  	_ =	swait.ge [sflag:s24], $0x4000  }
0xe4: {  	s30 =	sadd.s32 $0xFFFFFFFF, s30;
	[sflag:s24] =	ssyncset.done $0x0  }
.LBB2_13:
0xe5: {  	[sflag:s24] =	ssyncadd.s32 $0xFFFFC000;
	s28 =	sadd.s32 $0x100, s28;
	s29 =	sadd.s32 $0x100, s29  }
0xe6: {  	p0 =	sne.s32 s30, $0x1;
	s30 =	sadd.s32 $0xFFFFFFFF, s30;
	v5 =	vld [tilespmem:s28+$0xFFFFFF80];
	_ =	sdelay $0x4  }
0xe7: {  	[tilespmem:$0xA300] =	vst v5  }
0xe8: {  	v5 =	vld [tilespmem:s29+$0xFFFFFF80];
	_ =	sdelay $0x4  }
0xe9: {  	[tilespmem:$0xA400] =	vst v5  }
0xea: {  	v5 =	vld [tilespmem:s28+$0xFFFFFF90];
	_ =	sdelay $0x4  }
0xeb: {  	[tilespmem:$0xA310] =	vst v5  }
0xec: {  	v5 =	vld [tilespmem:s29+$0xFFFFFF90];
	_ =	sdelay $0x4  }
0xed: {  	[tilespmem:$0xA410] =	vst v5  }
0xee: {  	v5 =	vld [tilespmem:s28+$0xFFFFFFA0];
	_ =	sdelay $0x4  }
0xef: {  	[tilespmem:$0xA320] =	vst v5  }
0xf0: {  	v5 =	vld [tilespmem:s29+$0xFFFFFFA0];
	_ =	sdelay $0x4  }
0xf1: {  	[tilespmem:$0xA420] =	vst v5  }
0xf2: {  	v5 =	vld [tilespmem:s28+$0xFFFFFFB0];
	_ =	sdelay $0x4  }
0xf3: {  	[tilespmem:$0xA330] =	vst v5  }
0xf4: {  	v5 =	vld [tilespmem:s29+$0xFFFFFFB0];
	_ =	sdelay $0x4  }
0xf5: {  	[tilespmem:$0xA430] =	vst v5  }
0xf6: {  	v5 =	vld [tilespmem:s28+$0xFFFFFFC0];
	_ =	sdelay $0x4  }
0xf7: {  	[tilespmem:$0xA340] =	vst v5  }
0xf8: {  	v5 =	vld [tilespmem:s29+$0xFFFFFFC0];
	_ =	sdelay $0x4  }
0xf9: {  	[tilespmem:$0xA440] =	vst v5  }
0xfa: {  	v5 =	vld [tilespmem:s28+$0xFFFFFFD0];
	_ =	sdelay $0x4  }
0xfb: {  	[tilespmem:$0xA350] =	vst v5  }
0xfc: {  	v5 =	vld [tilespmem:s29+$0xFFFFFFD0];
	_ =	sdelay $0x4  }
0xfd: {  	[tilespmem:$0xA450] =	vst v5  }
0xfe: {  	v5 =	vld [tilespmem:s28+$0xFFFFFFE0];
	_ =	sdelay $0x4  }
0xff: {  	[tilespmem:$0xA360] =	vst v5  }
0x100: {  	v5 =	vld [tilespmem:s29+$0xFFFFFFE0];
	_ =	sdelay $0x4  }
0x101: {  	[tilespmem:$0xA460] =	vst v5  }
0x102: {  	v5 =	vld [tilespmem:s28+$0xFFFFFFF0];
	_ =	sdelay $0x4  }
0x103: {  	[tilespmem:$0xA370] =	vst v5  }
0x104: {  	v5 =	vld [tilespmem:s29+$0xFFFFFFF0];
	_ =	sdelay $0x4  }
0x105: {  	[tilespmem:$0xA470] =	vst v5  }
0x106: {  	v5 =	vld [tilespmem:s28+$0x0];
	_ =	sdelay $0x4  }
0x107: {  	[tilespmem:$0xA380] =	vst v5  }
0x108: {  	v5 =	vld [tilespmem:s29+$0x0];
	_ =	sdelay $0x4  }
0x109: {  	[tilespmem:$0xA480] =	vst v5  }
0x10a: {  	v5 =	vld [tilespmem:s28+$0x10];
	_ =	sdelay $0x4  }
0x10b: {  	[tilespmem:$0xA390] =	vst v5  }
0x10c: {  	v5 =	vld [tilespmem:s29+$0x10];
	_ =	sdelay $0x4  }
0x10d: {  	[tilespmem:$0xA490] =	vst v5  }
0x10e: {  	v5 =	vld [tilespmem:s28+$0x20];
	_ =	sdelay $0x4  }
0x10f: {  	[tilespmem:$0xA3A0] =	vst v5  }
0x110: {  	v5 =	vld [tilespmem:s29+$0x20];
	_ =	sdelay $0x4  }
0x111: {  	[tilespmem:$0xA4A0] =	vst v5  }
0x112: {  	v5 =	vld [tilespmem:s28+$0x30];
	_ =	sdelay $0x4  }
0x113: {  	[tilespmem:$0xA3B0] =	vst v5  }
0x114: {  	v5 =	vld [tilespmem:s29+$0x30];
	_ =	sdelay $0x4  }
0x115: {  	[tilespmem:$0xA4B0] =	vst v5  }
0x116: {  	v5 =	vld [tilespmem:s28+$0x40];
	_ =	sdelay $0x4  }
0x117: {  	[tilespmem:$0xA3C0] =	vst v5  }
0x118: {  	v5 =	vld [tilespmem:s29+$0x40];
	_ =	sdelay $0x4  }
0x119: {  	[tilespmem:$0xA4C0] =	vst v5  }
0x11a: {  	v5 =	vld [tilespmem:s28+$0x50];
	_ =	sdelay $0x4  }
0x11b: {  	[tilespmem:$0xA3D0] =	vst v5  }
0x11c: {  	v5 =	vld [tilespmem:s29+$0x50];
	_ =	sdelay $0x4  }
0x11d: {  	[tilespmem:$0xA4D0] =	vst v5  }
0x11e: {  	v5 =	vld [tilespmem:s28+$0x60];
	_ =	sdelay $0x4  }
0x11f: {  	[tilespmem:$0xA3E0] =	vst v5  }
0x120: {  	v5 =	vld [tilespmem:s29+$0x60];
	_ =	sdelay $0x4  }
0x121: {  	[tilespmem:$0xA4E0] =	vst v5  }
0x122: {  	v5 =	vld [tilespmem:s28+$0x70];
	_ =	sdelay $0x4  }
0x123: {  	[tilespmem:$0xA3F0] =	vst v5  }
0x124: {  	v5 =	vld [tilespmem:s29+$0x70];
	_ =	sdelay $0x4  }
0x125: {  	[tilespmem:$0xA4F0] =	vst v5  }
0x126: {  	[tilespmem:s16], [sflag:$0x1] =	stream.indirect.gather [hbm4b:s4+s11], $0x80, s17, s11, $0xb8;
	[tilespmem:$0x1C900] =	vst v63  }
0x127: {  	_ = 	snop  }
0x128: {  	[tilespmem:s19], [sflag:$0x2] =	stream.indirect.gather [hbm4b:s4+s11], $0x80, s18, s11, $0xb8;
	[tilespmem:$0x1C900] =	vst v63  }
0x129: {  	_ =	swait.ge [sflag:s15], $0x4000  }
0x12a: {  	[sflag:s15] =	ssyncset.done $0x0  }
0x12b: {  	[sflag:s15] =	ssyncadd.s32 $0xFFFFC000  }
0x12c: {  	[spmem:s1] =	stream.indirect.scatter.add.f32 [tilespmem:s16], [sflag:$0x3], $0x80, s20, s11, $0xb8;
	[tilespmem:$0x1C900] =	vst v63  }
0x12d: {  	_ =	swait.ge [sflag:s21], $0x4000  }
0x12e: {  	[sflag:s21] =	ssyncset.done $0x0  }
0x12f: {  	[sflag:s21] =	ssyncadd.s32 $0xFFFFC000  }
0x130: {  	[spmem:s1] =	stream.indirect.scatter.add.f32 [tilespmem:s19], [sflag:$0x4], $0x80, s22, s11, $0xb8;
	[tilespmem:$0x1C900] =	vst v63  }
.Ltmp11:
0x131: {  	_ =	swait.ge [sflag:s23], $0x4000;
	(pc) =	sbr.rel @p0 .LBB2_13-.Ltmp11, $4  }
0x132: {  	[sflag:s23] =	ssyncset.done $0x0  }
0x133: {  	[sflag:s23] =	ssyncadd.s32 $0xFFFFC000  }
0x134: {  	_ =	swait.ge [sflag:s24], $0x4000  }
0x135: {  	[sflag:s24] =	ssyncset.done $0x0  }
.Ltmp12:
0x136: {  	_ = 	snop;
	(pc) =	sbr.rel .LBB2_14-.Ltmp12, $1  }
0x137: {  	_ =	sdelay $0x3  }
.LBB2_16:
0x138: {  	_ =	sfence.sel $0x180000  }
0x139: {  	[bflag:$0x0] =	sbarrier.arrive $0xFFFF  }
0x13a: {  	_ =	strace $0x9000004A  }
0x13b: {  	s0 =	stileid.u32;
	[bflag:$0x2] =	sbarrier.arrive $0xFFFF  }
0x13c: {  	p0 =	sne.s32 s0, $0x0;
	s0 =	rddreg [dreg:$0x3]  }
0x13d: {  	s0 =	sadd.s32 @!p0 $0x100000, s0  }
0x13e: {  	[sflag:s0] =	ssyncadd.tile.s32 @!p0 $0x1;
	_ =	shalt  }
.Lfunc_end2:
_tile_overlayer_lowered:
.L_overlay_start_2:
0x13f: {  	(tag) =	ssettag $0x2  }
0x140: {  	s0 =	rddreg [dreg:$0x0];
	s2 =	stileid.u32  }
0x141: {  	s1 =	rddreg [dreg:$0x1];
	p0 =	sne.s32 s2, $0x0  }
0x142: {  	s3 =	rddreg [dreg:$0x2];
	[bflag:$0x3] =	sbarrier.arrive $0xFFFF;
	s2 =	simm.s32 @!p0 $0x1C05  }
0x143: {  	[timem:s3], [sflag:s2] =	dma.local @!p0 [hbm:s0], s1  }
0x144: {  	s0 =	simm.s32 @!p0 $0x5  }
0x145: {  	_ =	swait.ge @!p0 [sflag:s0], s1  }
0x146: {  	s1 =	ssub.s32 @!p0 $0x0, s1;
	[sflag:s0] =	ssyncset.done @!p0 $0x0  }
0x147: {  	[sflag:s0] =	ssyncadd.s32 @!p0 s1  }
0x148: {  	[bflag:$0x3] =	sbarrier.arrive $0xFFFF  }
0x149: {  	_ =	shalt  }

// kernel: kernel.5.cloned.1.call-start
scs
__scs_entry_jumppad:
0x0: {  	(pc) =	sbr.rel $0x88, $3  }
0x1: {  	(tag) =	ssettag $0x0;
	lr =	simm.s32 $0x1  }
0x2: {  	[smem:$0x3F99] =	sst lr;
	_ =	strace $0xD0000000  }
0x3: {  	_ = 	snop  }
0x4: {  	_ = 	snop  }
0x5: {  	_ = 	snop  }
0x6: {  	_ = 	snop  }
0x7: {  	_ = 	snop  }
__scs_overlays_trampoline_lowered:
0x8: {  	[smem:$0x3FA8] =	sst s0  }
0x9: {  	[smem:$0x3FA9] =	sst s1  }
0xa: {  	[smem:$0x3FAA] =	sst s2  }
0xb: {  	[smem:$0x3FAB] =	sst s3  }
0xc: {  	[smem:$0x3FAC] =	sst s4  }
0xd: {  	[smem:$0x3FAD] =	sst s5  }
0xe: {  	[smem:$0x3FAE] =	sst s6  }
0xf: {  	[smem:$0x3FAF] =	sst s7  }
0x10: {  	[smem:$0x3FB0] =	sst s8  }
0x11: {  	[smem:$0x3FB1] =	sst s9;
	s0 =	simm.s32 @!p0 $0x0  }
0x12: {  	s1 =	sld [smem:$0x3F97];
	s0 =	simm.s32 @p0 $0x1  }
0x13: {  	[smem:$0x3FB2] =	sst s0;
	s0 =	simm.s32 @!p1 $0x0  }
0x14: {  	s2 =	sld [smem:$0x3F96];
	s0 =	simm.s32 @p1 $0x1  }
0x15: {  	[smem:$0x3FB3] =	sst s0;
	s0 =	simm.s32 @!p2 $0x0  }
0x16: {  	s3 =	sld [smem:$0x3FDB];
	s0 =	simm.s32 @p2 $0x1  }
0x17: {  	s4 =	simm.s32 $0x1BF5;
	[smem:$0x3FB5] =	sst s0  }
0x18: {  	s0 =	sld [smem:$0x3F98];
	_ =	swait.ge [sflag:s4], $0x0  }
0x19: {  	s7 =	sld [smem:$0x3F99]  }
0x1a: {  	s8 =	sadd.s32 $0xFFFFE003, lr  }
0x1b: {  	s9 =	sadd.s32 $0xFFFFFEF7, lr;
	s5 =	simm.s32 $0xFFFFFFFF;
	p2 =	slt.u32 s8, $0xFFFFF086  }
0x1c: {  	p1 =	slt.u32 s9, $0xF7A;
	s5 =	simm.s32 @!p2 $0x0  }
0x1d: {  	s5 =	simm.s32 @p1 $0x1;
	p0 =	seq.s32 s7, s2  }
0x1e: {  	s7 =	smul.u32 @!p0 $0xF7A, s2;
	p2 =	seq.s32 @!p0 s5, $0x0  }
0x1f: {  	s9 =	smul.u32 $0xF7A, s1;
	s8 =	simm.s32 @!p0 $0x1BF5;
	p2 =	por !p2, p0  }
0x20: {  	[sflag:s8] =	ssyncset.s32 @!p0 $0xFFFFF086;
	s6 =	sadd.s32 @!p0 s3, s7;
	s7 =	simm.s32 @!p0 $0x108  }
0x21: {  	s3 =	sadd.s32 s3, s9;
	s6 =	sadd.s32 @!p0 $0x88, s6;
	s7 =	simm.s32 @p2 $0x1082  }
0x22: {  	[simem:s7], [sflag:s8] =	dma.local @!p0 [hbm:s6], $0xF7A  }
0x23: {  	s9 =	sor.u32 $0xD0000000, s2;
	s6 =	simm.s32 $0x108;
	_ =	swait.ge @!p0 [sflag:s8], $0x0  }
0x24: {  	s3 =	sadd.s32 $0x88, s3;
	s6 =	simm.s32 @!p1 $0x1082;
	[sflag:s4] =	ssyncset.s32 $0xFFFFF086  }
0x25: {  	[simem:s6], [sflag:s4] =	dma.local [hbm:s3], $0xF7A  }
0x26: {  	[smem:$0x3F99] =	sst s1;
	(tag) =	ssettag s2;
	_ =	strace s9  }
0x27: {  	s1 =	sld [smem:$0x3FA9]  }
0x28: {  	s2 =	sld [smem:$0x3FAA]  }
0x29: {  	s4 =	sld [smem:$0x3FAC]  }
0x2a: {  	p0 =	seq.s32 s5, $0x0;
	s5 =	sld [smem:$0x3FAD]  }
0x2b: {  	s6 =	sld [smem:$0x3FAE]  }
0x2c: {  	s7 =	sld [smem:$0x3FAF]  }
0x2d: {  	s3 =	simm.s32 $0x108;
	s8 =	sld [smem:$0x3FB0]  }
0x2e: {  	s3 =	simm.s32 @!p0 $0x1082;
	s9 =	sld [smem:$0x3FB1]  }
0x2f: {  	lr =	sadd.s32 s0, s3;
	s0 =	sld [smem:$0x3FA8]  }
0x30: {  	s3 =	sld [smem:$0x3FAB]  }
0x31: {  	[smem:$0x3FB4] =	sst s10  }
0x32: {  	s10 =	sld [smem:$0x3FB2];
	_ =	sdelay $0x3  }
0x33: {  	p0 =	seq.s32 s10, $0x1;
	s10 =	sld [smem:$0x3FB4];
	_ =	sdelay $0x3  }
0x34: {  	[smem:$0x3FB4] =	sst s10  }
0x35: {  	s10 =	sld [smem:$0x3FB3];
	_ =	sdelay $0x3  }
0x36: {  	p1 =	seq.s32 s10, $0x1;
	s10 =	sld [smem:$0x3FB4];
	_ =	sdelay $0x3  }
0x37: {  	[smem:$0x3FB4] =	sst s10  }
0x38: {  	s10 =	sld [smem:$0x3FB5]  }
0x39: {  	_ = 	snop;
	(pc) =	sbr.ind lr, $3  }
0x3a: {  	_ = 	snop  }
0x3b: {  	_ = 	snop  }
0x3c: {  	p2 =	seq.s32 s10, $0x1;
	s10 =	sld [smem:$0x3FB4]  }
0x3d: {  	_ =	shalt  }
0x3e: {  	_ =	shalt  }
0x3f: {  	_ =	shalt  }
0x40: {  	_ =	shalt  }
0x41: {  	_ =	shalt  }
0x42: {  	_ =	shalt  }
0x43: {  	_ =	shalt  }
0x44: {  	_ =	shalt  }
0x45: {  	_ =	shalt  }
0x46: {  	_ =	shalt  }
0x47: {  	_ =	shalt  }
0x48: {  	_ =	shalt  }
0x49: {  	_ =	shalt  }
0x4a: {  	_ =	shalt  }
0x4b: {  	_ =	shalt  }
0x4c: {  	_ =	shalt  }
0x4d: {  	_ =	shalt  }
0x4e: {  	_ =	shalt  }
0x4f: {  	_ =	shalt  }
0x50: {  	_ =	shalt  }
0x51: {  	_ =	shalt  }
0x52: {  	_ =	shalt  }
0x53: {  	_ =	shalt  }
0x54: {  	_ =	shalt  }
0x55: {  	_ =	shalt  }
0x56: {  	_ =	shalt  }
0x57: {  	_ =	shalt  }
0x58: {  	_ =	shalt  }
0x59: {  	_ =	shalt  }
0x5a: {  	_ =	shalt  }
0x5b: {  	_ =	shalt  }
0x5c: {  	_ =	shalt  }
0x5d: {  	_ =	shalt  }
0x5e: {  	_ =	shalt  }
0x5f: {  	_ =	shalt  }
0x60: {  	_ =	shalt  }
0x61: {  	_ =	shalt  }
0x62: {  	_ =	shalt  }
0x63: {  	_ =	shalt  }
0x64: {  	_ =	shalt  }
0x65: {  	_ =	shalt  }
0x66: {  	_ =	shalt  }
0x67: {  	_ =	shalt  }
0x68: {  	_ =	shalt  }
0x69: {  	_ =	shalt  }
0x6a: {  	_ =	shalt  }
0x6b: {  	_ =	shalt  }
0x6c: {  	_ =	shalt  }
0x6d: {  	_ =	shalt  }
0x6e: {  	_ =	shalt  }
0x6f: {  	_ =	shalt  }
0x70: {  	_ =	shalt  }
0x71: {  	_ =	shalt  }
0x72: {  	_ =	shalt  }
0x73: {  	_ =	shalt  }
0x74: {  	_ =	shalt  }
0x75: {  	_ =	shalt  }
0x76: {  	_ =	shalt  }
0x77: {  	_ =	shalt  }
0x78: {  	_ =	shalt  }
0x79: {  	_ =	shalt  }
0x7a: {  	_ =	shalt  }
0x7b: {  	_ =	shalt  }
0x7c: {  	_ =	shalt  }
0x7d: {  	_ =	shalt  }
0x7e: {  	_ =	shalt  }
0x7f: {  	_ =	shalt  }
0x80: {  	_ =	shalt  }
0x81: {  	_ =	shalt  }
0x82: {  	_ =	shalt  }
0x83: {  	_ =	shalt  }
0x84: {  	_ =	shalt  }
0x85: {  	_ =	shalt  }
0x86: {  	_ =	shalt  }
0x87: {  	_ =	shalt  }
.Lfunc_end0:
.L_simem_size_0:
called_computation.1_lowered:
.L_overlay_start_0:
0x88: {  	s2 =	sld [smem:$0x3FD9]  }
0x89: {  	s3 =	sld [smem:$0x3FFE];
	_ =	sdelay $0x1  }
0x8a: {  	s1 =	srdreg.scid  }
0x8b: {  	s0 =	sand.u32 $0x1, s1  }
0x8c: {  	s17 =	sshll.u32 s0, $0xA;
	s2 =	sadd.s32 s3, s2  }
0x8d: {  	s2 =	sadd.s32 s2, s17  }
0x8e: {  	[smem:$0x3FC0] =	sst s2  }
0x8f: {  	_ = 	snop  }
0x90: {  	s2 =	sld [smem:$0x3FD0];
	(tm) =	ssettm $0x1  }
0x91: {  	s18 =	sld [smem:$0x3FFB];
	_ =	sdelay $0x3  }
0x92: {  	_ =	strace s18  }
0x93: {  	s3 =	sld [smem:$0x3FFC];
	_ =	sdelay $0x3  }
0x94: {  	_ =	strace s3  }
0x95: {  	s3 =	sld [smem:$0x3FFD];
	_ =	sdelay $0x3  }
0x96: {  	_ =	strace s3  }
0x97: {  	_ =	strace $0x8FFFFFFF  }
0x98: {  	s19 =	sld [smem:$0x3FDB];
	_ =	sdelay $0x1  }
0x99: {  	s4 =	simm.s32 $_scs_section_size  }
0x9a: {  	s5 =	simm.s32 $_size__tile_overlayer_lowered;
	s6 =	simm.s32 $_tile_overlayer_lowered  }
0x9b: {  	s22 =	simm.s32 $0x1BFF;
	s21 =	sshll.u32 s6, $0x1;
	s3 =	sadd.s32 s4, s19  }
0x9c: {  	s7 =	simm.s32 $0x0;
	s20 =	sshll.u32 s5, $0x1;
	s5 =	sadd.s32 s21, s3  }
0x9d: {  	[timem:s7], [sflag:s22] =	dma.local [hbm:s5], s20  }
0x9e: {  	_ =	swait.ge [sflag:s22], s20  }
0x9f: {  	s4 =	ssub.s32 $0x0, s20;
	[sflag:s22] =	ssyncset.done $0x0  }
0xa0: {  	[sflag:s22] =	ssyncadd.s32 s4;
	_ =	sdelay $0x1  }
0xa1: {  	s23 =	simm.s32 $0x1B8B  }
0xa2: {  	_ =	swait.ge [sflag:s23], $0x1  }
0xa3: {  	[sflag:s23] =	ssyncset.done $0x0  }
0xa4: {  	s25 =	simm.s32 $0x1B8E;
	s24 =	sld [smem:$0x3FFE];
	[sflag:s23] =	ssyncadd.s32 $0xFFFFFFFF  }
0xa5: {  	s26 =	simm.s32 $execute0_lowered;
	[smem:$0x3FD2] =	sst s25  }
0xa6: {  	s5 =	sshll.u32 s26, $0x1;
	_ =	strace $0x80000046;
	[dreg:$0x1] =	wrdreg $0xFFFFFFFF  }
0xa7: {  	s28 =	simm.s32 $_size_execute0_lowered;
	s3 =	sadd.s32 s3, s5;
	[dreg:$0x0] =	wrdreg $0x0  }
0xa8: {  	s5 =	sshll.u32 s28, $0x1;
	[dreg:$0x2] =	wrdreg s3  }
0xa9: {  	[dreg:$0x3] =	wrdreg s5  }
0xaa: {  	[dreg:$0x4] =	wrdreg $0xC0  }
0xab: {  	_ =	task [dreg:s7], $0x5FFFF  }
0xac: {  	[dreg:$0x1] =	wrdreg $0xFFFFFFFF  }
0xad: {  	[dreg:$0x0] =	wrdreg $0x60  }
0xae: {  	[dreg:$0x2] =	wrdreg s2  }
0xaf: {  	[dreg:$0x3] =	wrdreg s24  }
0xb0: {  	[dreg:$0x4] =	wrdreg $0x9  }
0xb1: {  	_ =	task.clear_ibuf [dreg:s7], $0x5FFFF;
	_ =	strace $0x90000046  }
0xb2: {  	s29 =	simm.s32 $0x9;
	_ =	strace $0x80000048  }
0xb3: {  	_ =	swait.ge [sflag:s29], $0x1  }
0xb4: {  	[sflag:s29] =	ssyncadd.s32 $0xFFFFFFFF  }
0xb5: {  	_ =	strace $0x90000048  }
0xb6: {  	_ =	sfence  }
0xb7: {  	s30 =	sld [smem:$0x0];
	_ =	sdelay $0x2  }
0xb8: {  	s31 =	sshll.u32 s1, $0xD;
	s1 =	sshrl.u32 s1, $0x2  }
0xb9: {  	s3 =	sand.u32 $0x4000, s31;
	s1 =	sadd.s32 s1, s30  }
0xba: {  	s0 =	sor.u32 s3, s0;
	s1 =	sshll.u32 s1, $0x11  }
0xbb: {  	s0 =	sor.u32 s1, s0  }
0xbc: {  	s0 =	sadd.s32 $0x8F2B, s0  }
0xbd: {  	[sflag:s0] =	ssyncadd.remote.s32 $0x1  }
0xbe: {  	_ =	sfence.sel $0xFFFF  }
0xbf: {  	[dreg:$0x0] =	wrdreg $0xFFFFFFFF;
	(pc) =	sbr.abs _section_cstart, $3  }
0xc0: {  	[dreg:$0x1] =	wrdreg $0xFFFFFFFF  }
0xc1: {  	_ =	task.clear_ibuf [dreg:s7], $0x2FFFF;
	_ =	strace $0x9FFFFFFF  }
0xc2: {  	(tm) =	ssettm $0x7FFFFFFF  }
0xc3: {  	_ =	shalt  }
tec
execute0_lowered:
.L_overlay_start_1:
0x0: {  	(tag) =	ssettag $0x1  }
0x1: {  	s3 =	rddreg [dreg:$0x0]  }
0x2: {  	s4 =	rddreg [dreg:$0x1]  }
0x3: {  	s0 =	rddreg [dreg:$0x2];
	s2 =	simm.s32 $0x0;
	s5 =	srdreg.scid  }
0x4: {  	s1 =	stileid.u32;
	s10 =	simm.s32 $0x0;
	s5 =	sand.u32 $0x1, s5  }
0x5: {  	s6 =	sshrl.u32 s1, $0x2;
	s7 =	sshll.u32 s1, $0x8;
	[smem:$0x7FF] =	sst s2  }
0x6: {  	s8 =	sshll.u32 s5, $0x7;
	s7 =	sand.u32 $0x300, s7;
	s9 =	smul.u32 $0x14000, s6  }
0x7: {  	s6 =	smul.u32 $0x14400, s6;
	s5 =	ssub.s32 $0x2, s5;
	s7 =	sor.u32 s8, s7  }
0x8: {  	_ =	strace $0x80000047;
	s31 =	sshrl.u32 s5, $0x1;
	s8 =	sor.u32 s9, s7  }
0x9: {  	s6 =	sor.u32 s6, s7;
	s5 =	ssub.s32 s5, s31;
	s7 =	simm.s32 $0x400  }
0xa: {  	s9 =	simm.s32 $0x2880;
	s8 =	sshrl.u32 s8, $0x3;
	s6 =	sshrl.u32 s6, $0x3  }
0xb: {  	s5 =	smax.u32 s5, $0x1;
	s4 =	sadd.s32 s8, s4;
	s3 =	sadd.s32 s3, s6  }
0xc: {  	v0 =	vimm.f32 $0.0e+00;
	v1 =	vimm.f32 $1.000000000e+00;
	s6 =	simm.s32 $0x80;
	s8 =	simm.s32 $0x1;
	s4 =	sadd.s32 $0x2800, s4  }
.LBB2_1:
0xd: {  	[tilespmem:s2], [sflag:$0x1] =	stream.strided.gather [hbm4b:s3+s6], $0x2880, s7, s6, $0x38;
	[tilespmem:$0x5080] =	vst v63  }
0xe: {  	_ =	swait.ge [sflag:s8], $0x2880  }
0xf: {  	[sflag:s8] =	ssyncset.done $0x0  }
0x10: {  	s11 =	simm.s32 $0x0;
	[sflag:s8] =	ssyncadd.s32 $0xFFFFD780  }
.LBB2_2:
0x11: {  	p0 =	sne.s32 s11, $0x9FC0  }
.Ltmp0:
0x12: {  	_ = 	snop;
	(pc) =	sbr.rel @p0 .LBB2_2-.Ltmp0, $3  }
0x13: {  	_ =	sdelay $0x1  }
0x14: {  	s12 =	sshra.s32 s11, $0x2  }
0x15: {  	s11 =	sadd.s32 $0x40, s11;
	[tilespmem:s12+$0x2880] =	vst v0  }
0x16: {  	s12 =	simm.s32 $0x0;
	s11 =	simm.s32 $0x40  }
.LBB2_4:
0x17: {  	p0 =	sne.s32 s11, $0xA1C0;
	v2 =	vld [tilespmem:s12+$0x0];
	_ =	sdelay $0x3  }
.Ltmp1:
0x18: {  	(pc) =	sbr.rel @p0 .LBB2_4-.Ltmp1, $2  }
0x19: {  	_ =	sdelay $0x2  }
0x1a: {  	s12 =	sshra.s32 s11, $0x2;
	s11 =	sadd.s32 $0x40, s11;
	[tilespmem:v2+s9+$0x0] =	vst.idx.add.f32.msk $0xffff, v1  }
0x1b: {  	v2 =	vld [tilespmem:s12+$0x0];
	_ =	sdelay $0x5  }
0x1c: {  	s10 =	sadd.s32 $0x1, s10  }
0x1d: {  	p0 =	sne.s32 s10, s5  }
.Ltmp2:
0x1e: {  	[tilespmem:v2+s9+$0x0] =	vst.idx.add.f32.msk $0xffff, v1;
	(pc) =	sbr.rel @p0 .LBB2_1-.Ltmp2, $4  }
0x1f: {  	[hbm4b:s4+s6] =	stream.strided.scatter [tilespmem:s9], [sflag:$0x1], $0x2800, s7, s6, $0x38;
	[tilespmem:$0x5080] =	vst v63  }
0x20: {  	_ =	swait.ge [sflag:s8], $0x2800  }
0x21: {  	[sflag:s8] =	ssyncset.done $0x0  }
0x22: {  	[sflag:s8] =	ssyncadd.s32 $0xFFFFD800  }
0x23: {  	_ =	sfence.sel $0x180000  }
0x24: {  	[bflag:$0x0] =	sbarrier.arrive $0xFFFF  }
0x25: {  	p0 =	sne.s32 s1, $0x0;
	_ =	strace $0x90000047  }
0x26: {  	s0 =	sadd.s32 @!p0 $0x100000, s0;
	[bflag:$0x2] =	sbarrier.arrive $0xFFFF  }
0x27: {  	[sflag:s0] =	ssyncadd.tile.s32 @!p0 $0x1;
	_ =	shalt  }
.Lfunc_end2:
_tile_overlayer_lowered:
.L_overlay_start_2:
0x28: {  	(tag) =	ssettag $0x2  }
0x29: {  	s0 =	rddreg [dreg:$0x0];
	s2 =	stileid.u32  }
0x2a: {  	s1 =	rddreg [dreg:$0x1];
	p0 =	sne.s32 s2, $0x0  }
0x2b: {  	s3 =	rddreg [dreg:$0x2];
	[bflag:$0x3] =	sbarrier.arrive $0xFFFF;
	s2 =	simm.s32 @!p0 $0x1C01  }
0x2c: {  	[timem:s3], [sflag:s2] =	dma.local @!p0 [hbm:s0], s1  }
0x2d: {  	s0 =	simm.s32 @!p0 $0x1  }
0x2e: {  	_ =	swait.ge @!p0 [sflag:s0], s1  }
0x2f: {  	s1 =	ssub.s32 @!p0 $0x0, s1;
	[sflag:s0] =	ssyncset.done @!p0 $0x0  }
0x30: {  	[sflag:s0] =	ssyncadd.s32 @!p0 s1  }
0x31: {  	[bflag:$0x3] =	sbarrier.arrive $0xFFFF  }
0x32: {  	_ =	shalt  }

</sc_bundles>
